<compile_context>
chip_gen: v7x
topology: tpu7x:2x2x1
jax: 0.10.2.dev20260603
libtpu: 0.0.44.dev20260713+nightly
codegen_flags: <defaults>
</compile_context>

<pallas_src>
import functools

import jax
import jax.numpy as jnp
from jax import lax
from jax.experimental import pallas as pl
from jax.experimental.pallas import tpu as pltpu
from jax.experimental.pallas import tpu_sc as plsc

N = 320000
D = 128
NUM_SEGMENTS = 4096

BLK = 16000
N_BLKS = N // BLK


def _matvec_body(p_ref, w_ref, y_ref):
    y_ref[0] = lax.dot_general(
        w_ref[...], p_ref[...], (((1,), (1,)), ((), ())),
        preferred_element_type=jnp.float32)


def _matvec(power_spectrum, weights):
    return pl.pallas_call(
        _matvec_body,
        grid=(N_BLKS,),
        in_specs=[
            pl.BlockSpec((BLK, D), lambda i: (i, 0)),
            pl.BlockSpec((1, D), lambda i: (0, 0)),
        ],
        out_specs=pl.BlockSpec((1, 1, BLK), lambda i: (i, 0, 0)),
        out_shape=jax.ShapeDtypeStruct((N_BLKS, 1, BLK), jnp.float32),
    )(power_spectrum, weights)


NC = 2
NS = 16
NW = NC * NS
ROWS_W = N // NW
L = 16
ACC = L * NUM_SEGMENTS


def _seg_body(ids_hbm, y_hbm, out_hbm, ids_v, y_v, acc_v, res_v, sem1, sem2):
    c = lax.axis_index("c")
    s = lax.axis_index("s")
    wid = s * NC + c
    base = wid * ROWS_W
    cp_ids = pltpu.async_copy(ids_hbm.at[pl.ds(base, ROWS_W)], ids_v, sem1)
    cp_y = pltpu.async_copy(y_hbm.at[pl.ds(base, ROWS_W)], y_v, sem2)

    zeros = jnp.zeros((L,), jnp.float32)

    @plsc.parallel_loop(0, ACC // (16 * L), unroll=4)
    def _(i):
        for j in range(16):
            acc_v[pl.ds((i * 16 + j) * L, L)] = zeros

    cp_ids.wait()
    cp_y.wait()

    lane_off = lax.iota(jnp.int32, L) * NUM_SEGMENTS

    @plsc.parallel_loop(0, ROWS_W // L, unroll=16)
    def _(i):
        ids16 = ids_v[pl.ds(i * L, L)]
        y16 = y_v[pl.ds(i * L, L)]
        plsc.addupdate_scatter(acc_v, [ids16 + lane_off], y16)

    @plsc.parallel_loop(0, NUM_SEGMENTS // L, unroll=8)
    def _(k):
        kb = k * L
        acc = acc_v[pl.ds(kb, L)]
        for r in range(1, L):
            acc = acc + acc_v[pl.ds(r * NUM_SEGMENTS + kb, L)]
        res_v[pl.ds(kb, L)] = acc

    pltpu.sync_copy(res_v, out_hbm.at[wid])


def _segment_scatter(ids, y):
    f = functools.partial(
        pl.kernel,
        out_type=jax.ShapeDtypeStruct((NW, NUM_SEGMENTS), jnp.float32),
        mesh=plsc.VectorSubcoreMesh(core_axis_name="c", subcore_axis_name="s"),
        scratch_types=[
            pltpu.VMEM((ROWS_W,), jnp.int32),
            pltpu.VMEM((ROWS_W,), jnp.float32),
            pltpu.VMEM((ACC,), jnp.float32),
            pltpu.VMEM((NUM_SEGMENTS,), jnp.float32),
            pltpu.SemaphoreType.DMA,
            pltpu.SemaphoreType.DMA,
        ],
        compiler_params=pltpu.CompilerParams(needs_layout_passes=False),
    )(_seg_body)
    return f(ids, y)


RED_W = 2048


def _reduce_body(p_ref, o_ref):
    o_ref[...] = jnp.sum(p_ref[...], axis=0, keepdims=True)


def _reduce(partials):
    return pl.pallas_call(
        _reduce_body,
        grid=(NUM_SEGMENTS // RED_W,),
        in_specs=[pl.BlockSpec((NW, RED_W), lambda i: (0, i))],
        out_specs=pl.BlockSpec((1, RED_W), lambda i: (0, i)),
        out_shape=jax.ShapeDtypeStruct((1, NUM_SEGMENTS), jnp.float32),
    )(partials)


def kernel(power_spectrum, all_species, segment_ids, weights):
    del all_species
    ids = segment_ids.astype(jnp.int32)
    y = _matvec(power_spectrum, weights).reshape(N)
    partials = _segment_scatter(ids, y)
    out = _reduce(partials)
    return out.reshape(NUM_SEGMENTS, 1)

# --- scband reference (transcript-rebuilt; emitter-appended) ---
"""Pipeline reference for scband-ridge-regression-75462575390821 (READ-ONLY COPY).

The authoritative reference and input builder live on the scoring server;
editing this copy changes nothing except your own understanding.
"""

import jax, jax.numpy as jnp
import numpy as np

N = 320000
D = 128
NUM_STRUCTURES = 4096

def setup_inputs(seed: int = 0) -> dict:
    key = jax.random.key(seed)
    k1, k2, k3, k4 = jax.random.split(key, 4)
    power_spectrum = jax.random.normal(k1, (N, D), dtype=jnp.float32)
    all_species = jax.random.randint(k2, (N,), 0, 100, dtype=jnp.int64)
    segment_ids = jnp.sort(jax.random.randint(k3, (N,), 0, NUM_STRUCTURES, dtype=jnp.int64))
    # learned ridge-regression weights, shape [1, D] (weights stored as weights.T of the [D,1] solve)
    weights = jax.random.normal(k4, (1, D), dtype=jnp.float32) * 0.01
    return {"power_spectrum": power_spectrum, "all_species": all_species, "segment_ids": segment_ids, "weights": weights}

def reference(power_spectrum, all_species, segment_ids, weights):
    # SumStructures.apply: sum atom-row features per structure (contiguous slices -> segment sum)
    X = jax.ops.segment_sum(power_spectrum, segment_ids, num_segments=NUM_STRUCTURES)
    # forward: X @ self.weights.T  -> [NUM_STRUCTURES, 1]
    return X @ weights.T

if __name__ == "__main__":
    import jax
    _d = setup_inputs()
    print(jax.jit(kernel)(*tuple(_d.values())))

</pallas_src>

<mosaic_0001>
#map = affine_map<(d0, d1) -> (0)>
#map1 = affine_map<(d0, d1) -> (0, 0)>
module attributes {stable_mosaic.version = 14 : i64} {
  func.func @_seg_body(%arg0: i32, %arg1: i32, %arg2: memref<320000xi32, #tpu.memory_space<hbm>>, %arg3: memref<320000xf32, #tpu.memory_space<hbm>>, %arg4: memref<32x4096xf32, #tpu.memory_space<hbm>>, %arg5: memref<10000xi32, #tpu.memory_space<vmem>>, %arg6: memref<10000xf32, #tpu.memory_space<vmem>>, %arg7: memref<65536xf32, #tpu.memory_space<vmem>>, %arg8: memref<4096xf32, #tpu.memory_space<vmem>>, %arg9: memref<!tpu.dma_semaphore, #tpu.memory_space<semaphore_mem>>, %arg10: memref<!tpu.dma_semaphore, #tpu.memory_space<semaphore_mem>>) attributes {dimension_semantics = [#tpu.dimension_semantics<core_parallel>, #tpu.dimension_semantics<subcore_parallel>], iteration_bounds = array<i64: 2, 16>, scalar_prefetch = 0 : i64, scratch_operands = 6 : i64, tpu.core_type = #tpu.core_type<sc_vector_subcore>, window_params = [{transform_indices = #map}, {transform_indices = #map}, {transform_indices = #map1}]} {
    %mul3A = arith.constant 2 : i32
    %mul3A_0 = arith.muli %arg1, %mul3A : i32
    %add3A = arith.addi %mul3A_0, %arg0 : i32
    %mul3A_1 = arith.constant 10000 : i32
    %mul3A_2 = arith.muli %add3A, %mul3A_1 : i32
    %dma_start3A = tpu.memref_slice %arg2[%mul3A_2] : memref<320000xi32, #tpu.memory_space<hbm>> -> memref<10000xi32, #tpu.memory_space<hbm>>
    %dma_start3A_3 = tpu.memref_slice %arg2[%mul3A_2] : memref<320000xi32, #tpu.memory_space<hbm>> -> memref<10000xi32, #tpu.memory_space<hbm>>
    tpu.enqueue_dma source(%dma_start3A_3 : memref<10000xi32, #tpu.memory_space<hbm>>) target(%arg5 : memref<10000xi32, #tpu.memory_space<vmem>>) target_semaphore(%arg9 : memref<!tpu.dma_semaphore, #tpu.memory_space<semaphore_mem>>)
    %dma_start3A_4 = tpu.memref_slice %arg3[%mul3A_2] : memref<320000xf32, #tpu.memory_space<hbm>> -> memref<10000xf32, #tpu.memory_space<hbm>>
    %dma_start3A_5 = tpu.memref_slice %arg3[%mul3A_2] : memref<320000xf32, #tpu.memory_space<hbm>> -> memref<10000xf32, #tpu.memory_space<hbm>>
    tpu.enqueue_dma source(%dma_start3A_5 : memref<10000xf32, #tpu.memory_space<hbm>>) target(%arg6 : memref<10000xf32, #tpu.memory_space<vmem>>) target_semaphore(%arg10 : memref<!tpu.dma_semaphore, #tpu.memory_space<semaphore_mem>>)
    %broadcast_in_dim3A = arith.constant 0.000000e+00 : f32
    %broadcast_in_dim3A_6 = vector.broadcast %broadcast_in_dim3A : f32 to vector<16xf32>
    %parallel_loop3A = arith.constant 0 : i32
    %parallel_loop3A_7 = arith.constant 256 : i32
    %parallel_loop3A_8 = arith.constant 1 : i32
    scf.for %parallel_loop3A_21 = %parallel_loop3A to %parallel_loop3A_7 step %parallel_loop3A_8  : i32 {
      %parallel_loop3A_22 = arith.constant 16 : i32
      %parallel_loop3A_23 = arith.muli %parallel_loop3A_21, %parallel_loop3A_22 : i32
      %parallel_loop3A_24 = arith.constant 0 : i32
      %parallel_loop3A_25 = arith.addi %parallel_loop3A_23, %parallel_loop3A_24 : i32
      %parallel_loop3A_26 = arith.constant 16 : i32
      %parallel_loop3A_27 = arith.muli %parallel_loop3A_25, %parallel_loop3A_26 : i32
      %parallel_loop3A_28 = arith.index_cast %parallel_loop3A_27 : i32 to index
      %parallel_loop3A_29 = tpu.vector_load %arg7[%parallel_loop3A_28] {strides = array<i32>} : memref<65536xf32, #tpu.memory_space<vmem>>, vector<16xf32>,
      tpu.vector_store %arg7[%parallel_loop3A_28], %broadcast_in_dim3A_6 {strides = array<i32>} : memref<65536xf32, #tpu.memory_space<vmem>>, vector<16xf32>,
      %parallel_loop3A_30 = arith.constant 16 : i32
      %parallel_loop3A_31 = arith.muli %parallel_loop3A_21, %parallel_loop3A_30 : i32
      %parallel_loop3A_32 = arith.constant 1 : i32
      %parallel_loop3A_33 = arith.addi %parallel_loop3A_31, %parallel_loop3A_32 : i32
      %parallel_loop3A_34 = arith.constant 16 : i32
      %parallel_loop3A_35 = arith.muli %parallel_loop3A_33, %parallel_loop3A_34 : i32
      %parallel_loop3A_36 = arith.index_cast %parallel_loop3A_35 : i32 to index
      %parallel_loop3A_37 = tpu.vector_load %arg7[%parallel_loop3A_36] {strides = array<i32>} : memref<65536xf32, #tpu.memory_space<vmem>>, vector<16xf32>,
      tpu.vector_store %arg7[%parallel_loop3A_36], %broadcast_in_dim3A_6 {strides = array<i32>} : memref<65536xf32, #tpu.memory_space<vmem>>, vector<16xf32>,
      %parallel_loop3A_38 = arith.constant 16 : i32
      %parallel_loop3A_39 = arith.muli %parallel_loop3A_21, %parallel_loop3A_38 : i32
      %parallel_loop3A_40 = arith.constant 2 : i32
      %parallel_loop3A_41 = arith.addi %parallel_loop3A_39, %parallel_loop3A_40 : i32
      %parallel_loop3A_42 = arith.constant 16 : i32
      %parallel_loop3A_43 = arith.muli %parallel_loop3A_41, %parallel_loop3A_42 : i32
      %parallel_loop3A_44 = arith.index_cast %parallel_loop3A_43 : i32 to index
      %parallel_loop3A_45 = tpu.vector_load %arg7[%parallel_loop3A_44] {strides = array<i32>} : memref<65536xf32, #tpu.memory_space<vmem>>, vector<16xf32>,
      tpu.vector_store %arg7[%parallel_loop3A_44], %broadcast_in_dim3A_6 {strides = array<i32>} : memref<65536xf32, #tpu.memory_space<vmem>>, vector<16xf32>,
      %parallel_loop3A_46 = arith.constant 16 : i32
      %parallel_loop3A_47 = arith.muli %parallel_loop3A_21, %parallel_loop3A_46 : i32
      %parallel_loop3A_48 = arith.constant 3 : i32
      %parallel_loop3A_49 = arith.addi %parallel_loop3A_47, %parallel_loop3A_48 : i32
      %parallel_loop3A_50 = arith.constant 16 : i32
      %parallel_loop3A_51 = arith.muli %parallel_loop3A_49, %parallel_loop3A_50 : i32
      %parallel_loop3A_52 = arith.index_cast %parallel_loop3A_51 : i32 to index
      %parallel_loop3A_53 = tpu.vector_load %arg7[%parallel_loop3A_52] {strides = array<i32>} : memref<65536xf32, #tpu.memory_space<vmem>>, vector<16xf32>,
      tpu.vector_store %arg7[%parallel_loop3A_52], %broadcast_in_dim3A_6 {strides = array<i32>} : memref<65536xf32, #tpu.memory_space<vmem>>, vector<16xf32>,
      %parallel_loop3A_54 = arith.constant 16 : i32
      %parallel_loop3A_55 = arith.muli %parallel_loop3A_21, %parallel_loop3A_54 : i32
      %parallel_loop3A_56 = arith.constant 4 : i32
      %parallel_loop3A_57 = arith.addi %parallel_loop3A_55, %parallel_loop3A_56 : i32
      %parallel_loop3A_58 = arith.constant 16 : i32
      %parallel_loop3A_59 = arith.muli %parallel_loop3A_57, %parallel_loop3A_58 : i32
      %parallel_loop3A_60 = arith.index_cast %parallel_loop3A_59 : i32 to index
      %parallel_loop3A_61 = tpu.vector_load %arg7[%parallel_loop3A_60] {strides = array<i32>} : memref<65536xf32, #tpu.memory_space<vmem>>, vector<16xf32>,
      tpu.vector_store %arg7[%parallel_loop3A_60], %broadcast_in_dim3A_6 {strides = array<i32>} : memref<65536xf32, #tpu.memory_space<vmem>>, vector<16xf32>,
      %parallel_loop3A_62 = arith.constant 16 : i32
      %parallel_loop3A_63 = arith.muli %parallel_loop3A_21, %parallel_loop3A_62 : i32
      %parallel_loop3A_64 = arith.constant 5 : i32
      %parallel_loop3A_65 = arith.addi %parallel_loop3A_63, %parallel_loop3A_64 : i32
      %parallel_loop3A_66 = arith.constant 16 : i32
      %parallel_loop3A_67 = arith.muli %parallel_loop3A_65, %parallel_loop3A_66 : i32
      %parallel_loop3A_68 = arith.index_cast %parallel_loop3A_67 : i32 to index
      %parallel_loop3A_69 = tpu.vector_load %arg7[%parallel_loop3A_68] {strides = array<i32>} : memref<65536xf32, #tpu.memory_space<vmem>>, vector<16xf32>,
      tpu.vector_store %arg7[%parallel_loop3A_68], %broadcast_in_dim3A_6 {strides = array<i32>} : memref<65536xf32, #tpu.memory_space<vmem>>, vector<16xf32>,
      %parallel_loop3A_70 = arith.constant 16 : i32
      %parallel_loop3A_71 = arith.muli %parallel_loop3A_21, %parallel_loop3A_70 : i32
      %parallel_loop3A_72 = arith.constant 6 : i32
      %parallel_loop3A_73 = arith.addi %parallel_loop3A_71, %parallel_loop3A_72 : i32
      %parallel_loop3A_74 = arith.constant 16 : i32
      %parallel_loop3A_75 = arith.muli %parallel_loop3A_73, %parallel_loop3A_74 : i32
      %parallel_loop3A_76 = arith.index_cast %parallel_loop3A_75 : i32 to index
      %parallel_loop3A_77 = tpu.vector_load %arg7[%parallel_loop3A_76] {strides = array<i32>} : memref<65536xf32, #tpu.memory_space<vmem>>, vector<16xf32>,
      tpu.vector_store %arg7[%parallel_loop3A_76], %broadcast_in_dim3A_6 {strides = array<i32>} : memref<65536xf32, #tpu.memory_space<vmem>>, vector<16xf32>,
      %parallel_loop3A_78 = arith.constant 16 : i32
      %parallel_loop3A_79 = arith.muli %parallel_loop3A_21, %parallel_loop3A_78 : i32
      %parallel_loop3A_80 = arith.constant 7 : i32
      %parallel_loop3A_81 = arith.addi %parallel_loop3A_79, %parallel_loop3A_80 : i32
      %parallel_loop3A_82 = arith.constant 16 : i32
      %parallel_loop3A_83 = arith.muli %parallel_loop3A_81, %parallel_loop3A_82 : i32
      %parallel_loop3A_84 = arith.index_cast %parallel_loop3A_83 : i32 to index
      %parallel_loop3A_85 = tpu.vector_load %arg7[%parallel_loop3A_84] {strides = array<i32>} : memref<65536xf32, #tpu.memory_space<vmem>>, vector<16xf32>,
      tpu.vector_store %arg7[%parallel_loop3A_84], %broadcast_in_dim3A_6 {strides = array<i32>} : memref<65536xf32, #tpu.memory_space<vmem>>, vector<16xf32>,
      %parallel_loop3A_86 = arith.constant 16 : i32
      %parallel_loop3A_87 = arith.muli %parallel_loop3A_21, %parallel_loop3A_86 : i32
      %parallel_loop3A_88 = arith.constant 8 : i32
      %parallel_loop3A_89 = arith.addi %parallel_loop3A_87, %parallel_loop3A_88 : i32
      %parallel_loop3A_90 = arith.constant 16 : i32
      %parallel_loop3A_91 = arith.muli %parallel_loop3A_89, %parallel_loop3A_90 : i32
      %parallel_loop3A_92 = arith.index_cast %parallel_loop3A_91 : i32 to index
      %parallel_loop3A_93 = tpu.vector_load %arg7[%parallel_loop3A_92] {strides = array<i32>} : memref<65536xf32, #tpu.memory_space<vmem>>, vector<16xf32>,
      tpu.vector_store %arg7[%parallel_loop3A_92], %broadcast_in_dim3A_6 {strides = array<i32>} : memref<65536xf32, #tpu.memory_space<vmem>>, vector<16xf32>,
      %parallel_loop3A_94 = arith.constant 16 : i32
      %parallel_loop3A_95 = arith.muli %parallel_loop3A_21, %parallel_loop3A_94 : i32
      %parallel_loop3A_96 = arith.constant 9 : i32
      %parallel_loop3A_97 = arith.addi %parallel_loop3A_95, %parallel_loop3A_96 : i32
      %parallel_loop3A_98 = arith.constant 16 : i32
      %parallel_loop3A_99 = arith.muli %parallel_loop3A_97, %parallel_loop3A_98 : i32
      %parallel_loop3A_100 = arith.index_cast %parallel_loop3A_99 : i32 to index
      %parallel_loop3A_101 = tpu.vector_load %arg7[%parallel_loop3A_100] {strides = array<i32>} : memref<65536xf32, #tpu.memory_space<vmem>>, vector<16xf32>,
      tpu.vector_store %arg7[%parallel_loop3A_100], %broadcast_in_dim3A_6 {strides = array<i32>} : memref<65536xf32, #tpu.memory_space<vmem>>, vector<16xf32>,
      %parallel_loop3A_102 = arith.constant 16 : i32
      %parallel_loop3A_103 = arith.muli %parallel_loop3A_21, %parallel_loop3A_102 : i32
      %parallel_loop3A_104 = arith.constant 10 : i32
      %parallel_loop3A_105 = arith.addi %parallel_loop3A_103, %parallel_loop3A_104 : i32
      %parallel_loop3A_106 = arith.constant 16 : i32
      %parallel_loop3A_107 = arith.muli %parallel_loop3A_105, %parallel_loop3A_106 : i32
      %parallel_loop3A_108 = arith.index_cast %parallel_loop3A_107 : i32 to index
      %parallel_loop3A_109 = tpu.vector_load %arg7[%parallel_loop3A_108] {strides = array<i32>} : memref<65536xf32, #tpu.memory_space<vmem>>, vector<16xf32>,
      tpu.vector_store %arg7[%parallel_loop3A_108], %broadcast_in_dim3A_6 {strides = array<i32>} : memref<65536xf32, #tpu.memory_space<vmem>>, vector<16xf32>,
      %parallel_loop3A_110 = arith.constant 16 : i32
      %parallel_loop3A_111 = arith.muli %parallel_loop3A_21, %parallel_loop3A_110 : i32
      %parallel_loop3A_112 = arith.constant 11 : i32
      %parallel_loop3A_113 = arith.addi %parallel_loop3A_111, %parallel_loop3A_112 : i32
      %parallel_loop3A_114 = arith.constant 16 : i32
      %parallel_loop3A_115 = arith.muli %parallel_loop3A_113, %parallel_loop3A_114 : i32
      %parallel_loop3A_116 = arith.index_cast %parallel_loop3A_115 : i32 to index
      %parallel_loop3A_117 = tpu.vector_load %arg7[%parallel_loop3A_116] {strides = array<i32>} : memref<65536xf32, #tpu.memory_space<vmem>>, vector<16xf32>,
      tpu.vector_store %arg7[%parallel_loop3A_116], %broadcast_in_dim3A_6 {strides = array<i32>} : memref<65536xf32, #tpu.memory_space<vmem>>, vector<16xf32>,
      %parallel_loop3A_118 = arith.constant 16 : i32
      %parallel_loop3A_119 = arith.muli %parallel_loop3A_21, %parallel_loop3A_118 : i32
      %parallel_loop3A_120 = arith.constant 12 : i32
      %parallel_loop3A_121 = arith.addi %parallel_loop3A_119, %parallel_loop3A_120 : i32
      %parallel_loop3A_122 = arith.constant 16 : i32
      %parallel_loop3A_123 = arith.muli %parallel_loop3A_121, %parallel_loop3A_122 : i32
      %parallel_loop3A_124 = arith.index_cast %parallel_loop3A_123 : i32 to index
      %parallel_loop3A_125 = tpu.vector_load %arg7[%parallel_loop3A_124] {strides = array<i32>} : memref<65536xf32, #tpu.memory_space<vmem>>, vector<16xf32>,
      tpu.vector_store %arg7[%parallel_loop3A_124], %broadcast_in_dim3A_6 {strides = array<i32>} : memref<65536xf32, #tpu.memory_space<vmem>>, vector<16xf32>,
      %parallel_loop3A_126 = arith.constant 16 : i32
      %parallel_loop3A_127 = arith.muli %parallel_loop3A_21, %parallel_loop3A_126 : i32
      %parallel_loop3A_128 = arith.constant 13 : i32
      %parallel_loop3A_129 = arith.addi %parallel_loop3A_127, %parallel_loop3A_128 : i32
      %parallel_loop3A_130 = arith.constant 16 : i32
      %parallel_loop3A_131 = arith.muli %parallel_loop3A_129, %parallel_loop3A_130 : i32
      %parallel_loop3A_132 = arith.index_cast %parallel_loop3A_131 : i32 to index
      %parallel_loop3A_133 = tpu.vector_load %arg7[%parallel_loop3A_132] {strides = array<i32>} : memref<65536xf32, #tpu.memory_space<vmem>>, vector<16xf32>,
      tpu.vector_store %arg7[%parallel_loop3A_132], %broadcast_in_dim3A_6 {strides = array<i32>} : memref<65536xf32, #tpu.memory_space<vmem>>, vector<16xf32>,
      %parallel_loop3A_134 = arith.constant 16 : i32
      %parallel_loop3A_135 = arith.muli %parallel_loop3A_21, %parallel_loop3A_134 : i32
      %parallel_loop3A_136 = arith.constant 14 : i32
      %parallel_loop3A_137 = arith.addi %parallel_loop3A_135, %parallel_loop3A_136 : i32
      %parallel_loop3A_138 = arith.constant 16 : i32
      %parallel_loop3A_139 = arith.muli %parallel_loop3A_137, %parallel_loop3A_138 : i32
      %parallel_loop3A_140 = arith.index_cast %parallel_loop3A_139 : i32 to index
      %parallel_loop3A_141 = tpu.vector_load %arg7[%parallel_loop3A_140] {strides = array<i32>} : memref<65536xf32, #tpu.memory_space<vmem>>, vector<16xf32>,
      tpu.vector_store %arg7[%parallel_loop3A_140], %broadcast_in_dim3A_6 {strides = array<i32>} : memref<65536xf32, #tpu.memory_space<vmem>>, vector<16xf32>,
      %parallel_loop3A_142 = arith.constant 16 : i32
      %parallel_loop3A_143 = arith.muli %parallel_loop3A_21, %parallel_loop3A_142 : i32
      %parallel_loop3A_144 = arith.constant 15 : i32
      %parallel_loop3A_145 = arith.addi %parallel_loop3A_143, %parallel_loop3A_144 : i32
      %parallel_loop3A_146 = arith.constant 16 : i32
      %parallel_loop3A_147 = arith.muli %parallel_loop3A_145, %parallel_loop3A_146 : i32
      %parallel_loop3A_148 = arith.index_cast %parallel_loop3A_147 : i32 to index
      %parallel_loop3A_149 = tpu.vector_load %arg7[%parallel_loop3A_148] {strides = array<i32>} : memref<65536xf32, #tpu.memory_space<vmem>>, vector<16xf32>,
      tpu.vector_store %arg7[%parallel_loop3A_148], %broadcast_in_dim3A_6 {strides = array<i32>} : memref<65536xf32, #tpu.memory_space<vmem>>, vector<16xf32>,
    } {sc.loop_unroll_factor = 4 : i64, sc.parallel_access}
    %dma_wait3A = tpu.memref_slice %arg2[%mul3A_2] : memref<320000xi32, #tpu.memory_space<hbm>> -> memref<10000xi32, #tpu.memory_space<hbm>>
    %dma_wait3A_9 = tpu.memref_slice %arg2[%mul3A_2] : memref<320000xi32, #tpu.memory_space<hbm>> -> memref<10000xi32, #tpu.memory_space<hbm>>
    tpu.wait_dma2 semaphore(%arg9 : memref<!tpu.dma_semaphore, #tpu.memory_space<semaphore_mem>>) src(%dma_wait3A_9 : memref<10000xi32, #tpu.memory_space<hbm>>) dst(%arg5 : memref<10000xi32, #tpu.memory_space<vmem>>)
    %dma_wait3A_10 = tpu.memref_slice %arg3[%mul3A_2] : memref<320000xf32, #tpu.memory_space<hbm>> -> memref<10000xf32, #tpu.memory_space<hbm>>
    %dma_wait3A_11 = tpu.memref_slice %arg3[%mul3A_2] : memref<320000xf32, #tpu.memory_space<hbm>> -> memref<10000xf32, #tpu.memory_space<hbm>>
    tpu.wait_dma2 semaphore(%arg10 : memref<!tpu.dma_semaphore, #tpu.memory_space<semaphore_mem>>) src(%dma_wait3A_11 : memref<10000xf32, #tpu.memory_space<hbm>>) dst(%arg6 : memref<10000xf32, #tpu.memory_space<vmem>>)
    %iota3A = tpu.iota {dimensions = array<i32: 0>} : vector<16xi32>
    %mul3A_12 = arith.constant 4096 : i32
    %mul3A_13 = vector.broadcast %mul3A_12 : i32 to vector<16xi32>
    %mul3A_14 = arith.muli %iota3A, %mul3A_13 : vector<16xi32>
    %parallel_loop3A_15 = arith.constant 0 : i32
    %parallel_loop3A_16 = arith.constant 625 : i32
    %parallel_loop3A_17 = arith.constant 1 : i32
    scf.for %parallel_loop3A_21 = %parallel_loop3A_15 to %parallel_loop3A_16 step %parallel_loop3A_17  : i32 {
      %parallel_loop3A_22 = arith.constant 16 : i32
      %parallel_loop3A_23 = arith.muli %parallel_loop3A_21, %parallel_loop3A_22 : i32
      %parallel_loop3A_24 = arith.index_cast %parallel_loop3A_23 : i32 to index
      %parallel_loop3A_25 = tpu.vector_load %arg5[%parallel_loop3A_24] {strides = array<i32>} : memref<10000xi32, #tpu.memory_space<vmem>>, vector<16xi32>,
      %parallel_loop3A_26 = arith.constant 16 : i32
      %parallel_loop3A_27 = arith.muli %parallel_loop3A_21, %parallel_loop3A_26 : i32
      %parallel_loop3A_28 = arith.index_cast %parallel_loop3A_27 : i32 to index
      %parallel_loop3A_29 = tpu.vector_load %arg6[%parallel_loop3A_28] {strides = array<i32>} : memref<10000xf32, #tpu.memory_space<vmem>>, vector<16xf32>,
      %parallel_loop3A_30 = arith.addi %parallel_loop3A_25, %mul3A_14 : vector<16xi32>
      tpu.vector_store_idx %arg7[%parallel_loop3A_30], %parallel_loop3A_29 {add = true} : memref<65536xf32, #tpu.memory_space<vmem>>[vector<16xi32>], vector<16xf32>,
    } {sc.loop_unroll_factor = 16 : i64, sc.parallel_access}
    %parallel_loop3A_18 = arith.constant 0 : i32
    %parallel_loop3A_19 = arith.constant 256 : i32
    %parallel_loop3A_20 = arith.constant 1 : i32
    scf.for %parallel_loop3A_21 = %parallel_loop3A_18 to %parallel_loop3A_19 step %parallel_loop3A_20  : i32 {
      %parallel_loop3A_22 = arith.constant 16 : i32
      %parallel_loop3A_23 = arith.muli %parallel_loop3A_21, %parallel_loop3A_22 : i32
      %parallel_loop3A_24 = arith.index_cast %parallel_loop3A_23 : i32 to index
      %parallel_loop3A_25 = tpu.vector_load %arg7[%parallel_loop3A_24] {strides = array<i32>} : memref<65536xf32, #tpu.memory_space<vmem>>, vector<16xf32>,
      %parallel_loop3A_26 = arith.constant 4096 : i32
      %parallel_loop3A_27 = arith.addi %parallel_loop3A_26, %parallel_loop3A_23 : i32
      %parallel_loop3A_28 = arith.index_cast %parallel_loop3A_27 : i32 to index
      %parallel_loop3A_29 = tpu.vector_load %arg7[%parallel_loop3A_28] {strides = array<i32>} : memref<65536xf32, #tpu.memory_space<vmem>>, vector<16xf32>,
      %parallel_loop3A_30 = arith.addf %parallel_loop3A_25, %parallel_loop3A_29 : vector<16xf32>
      %parallel_loop3A_31 = arith.constant 8192 : i32
      %parallel_loop3A_32 = arith.addi %parallel_loop3A_31, %parallel_loop3A_23 : i32
      %parallel_loop3A_33 = arith.index_cast %parallel_loop3A_32 : i32 to index
      %parallel_loop3A_34 = tpu.vector_load %arg7[%parallel_loop3A_33] {strides = array<i32>} : memref<65536xf32, #tpu.memory_space<vmem>>, vector<16xf32>,
      %parallel_loop3A_35 = arith.addf %parallel_loop3A_30, %parallel_loop3A_34 : vector<16xf32>
      %parallel_loop3A_36 = arith.constant 12288 : i32
      %parallel_loop3A_37 = arith.addi %parallel_loop3A_36, %parallel_loop3A_23 : i32
      %parallel_loop3A_38 = arith.index_cast %parallel_loop3A_37 : i32 to index
      %parallel_loop3A_39 = tpu.vector_load %arg7[%parallel_loop3A_38] {strides = array<i32>} : memref<65536xf32, #tpu.memory_space<vmem>>, vector<16xf32>,
      %parallel_loop3A_40 = arith.addf %parallel_loop3A_35, %parallel_loop3A_39 : vector<16xf32>
      %parallel_loop3A_41 = arith.constant 16384 : i32
      %parallel_loop3A_42 = arith.addi %parallel_loop3A_41, %parallel_loop3A_23 : i32
      %parallel_loop3A_43 = arith.index_cast %parallel_loop3A_42 : i32 to index
      %parallel_loop3A_44 = tpu.vector_load %arg7[%parallel_loop3A_43] {strides = array<i32>} : memref<65536xf32, #tpu.memory_space<vmem>>, vector<16xf32>,
      %parallel_loop3A_45 = arith.addf %parallel_loop3A_40, %parallel_loop3A_44 : vector<16xf32>
      %parallel_loop3A_46 = arith.constant 20480 : i32
      %parallel_loop3A_47 = arith.addi %parallel_loop3A_46, %parallel_loop3A_23 : i32
      %parallel_loop3A_48 = arith.index_cast %parallel_loop3A_47 : i32 to index
      %parallel_loop3A_49 = tpu.vector_load %arg7[%parallel_loop3A_48] {strides = array<i32>} : memref<65536xf32, #tpu.memory_space<vmem>>, vector<16xf32>,
      %parallel_loop3A_50 = arith.addf %parallel_loop3A_45, %parallel_loop3A_49 : vector<16xf32>
      %parallel_loop3A_51 = arith.constant 24576 : i32
      %parallel_loop3A_52 = arith.addi %parallel_loop3A_51, %parallel_loop3A_23 : i32
      %parallel_loop3A_53 = arith.index_cast %parallel_loop3A_52 : i32 to index
      %parallel_loop3A_54 = tpu.vector_load %arg7[%parallel_loop3A_53] {strides = array<i32>} : memref<65536xf32, #tpu.memory_space<vmem>>, vector<16xf32>,
      %parallel_loop3A_55 = arith.addf %parallel_loop3A_50, %parallel_loop3A_54 : vector<16xf32>
      %parallel_loop3A_56 = arith.constant 28672 : i32
      %parallel_loop3A_57 = arith.addi %parallel_loop3A_56, %parallel_loop3A_23 : i32
      %parallel_loop3A_58 = arith.index_cast %parallel_loop3A_57 : i32 to index
      %parallel_loop3A_59 = tpu.vector_load %arg7[%parallel_loop3A_58] {strides = array<i32>} : memref<65536xf32, #tpu.memory_space<vmem>>, vector<16xf32>,
      %parallel_loop3A_60 = arith.addf %parallel_loop3A_55, %parallel_loop3A_59 : vector<16xf32>
      %parallel_loop3A_61 = arith.constant 32768 : i32
      %parallel_loop3A_62 = arith.addi %parallel_loop3A_61, %parallel_loop3A_23 : i32
      %parallel_loop3A_63 = arith.index_cast %parallel_loop3A_62 : i32 to index
      %parallel_loop3A_64 = tpu.vector_load %arg7[%parallel_loop3A_63] {strides = array<i32>} : memref<65536xf32, #tpu.memory_space<vmem>>, vector<16xf32>,
      %parallel_loop3A_65 = arith.addf %parallel_loop3A_60, %parallel_loop3A_64 : vector<16xf32>
      %parallel_loop3A_66 = arith.constant 36864 : i32
      %parallel_loop3A_67 = arith.addi %parallel_loop3A_66, %parallel_loop3A_23 : i32
      %parallel_loop3A_68 = arith.index_cast %parallel_loop3A_67 : i32 to index
      %parallel_loop3A_69 = tpu.vector_load %arg7[%parallel_loop3A_68] {strides = array<i32>} : memref<65536xf32, #tpu.memory_space<vmem>>, vector<16xf32>,
      %parallel_loop3A_70 = arith.addf %parallel_loop3A_65, %parallel_loop3A_69 : vector<16xf32>
      %parallel_loop3A_71 = arith.constant 40960 : i32
      %parallel_loop3A_72 = arith.addi %parallel_loop3A_71, %parallel_loop3A_23 : i32
      %parallel_loop3A_73 = arith.index_cast %parallel_loop3A_72 : i32 to index
      %parallel_loop3A_74 = tpu.vector_load %arg7[%parallel_loop3A_73] {strides = array<i32>} : memref<65536xf32, #tpu.memory_space<vmem>>, vector<16xf32>,
      %parallel_loop3A_75 = arith.addf %parallel_loop3A_70, %parallel_loop3A_74 : vector<16xf32>
      %parallel_loop3A_76 = arith.constant 45056 : i32
      %parallel_loop3A_77 = arith.addi %parallel_loop3A_76, %parallel_loop3A_23 : i32
      %parallel_loop3A_78 = arith.index_cast %parallel_loop3A_77 : i32 to index
      %parallel_loop3A_79 = tpu.vector_load %arg7[%parallel_loop3A_78] {strides = array<i32>} : memref<65536xf32, #tpu.memory_space<vmem>>, vector<16xf32>,
      %parallel_loop3A_80 = arith.addf %parallel_loop3A_75, %parallel_loop3A_79 : vector<16xf32>
      %parallel_loop3A_81 = arith.constant 49152 : i32
      %parallel_loop3A_82 = arith.addi %parallel_loop3A_81, %parallel_loop3A_23 : i32
      %parallel_loop3A_83 = arith.index_cast %parallel_loop3A_82 : i32 to index
      %parallel_loop3A_84 = tpu.vector_load %arg7[%parallel_loop3A_83] {strides = array<i32>} : memref<65536xf32, #tpu.memory_space<vmem>>, vector<16xf32>,
      %parallel_loop3A_85 = arith.addf %parallel_loop3A_80, %parallel_loop3A_84 : vector<16xf32>
      %parallel_loop3A_86 = arith.constant 53248 : i32
      %parallel_loop3A_87 = arith.addi %parallel_loop3A_86, %parallel_loop3A_23 : i32
      %parallel_loop3A_88 = arith.index_cast %parallel_loop3A_87 : i32 to index
      %parallel_loop3A_89 = tpu.vector_load %arg7[%parallel_loop3A_88] {strides = array<i32>} : memref<65536xf32, #tpu.memory_space<vmem>>, vector<16xf32>,
      %parallel_loop3A_90 = arith.addf %parallel_loop3A_85, %parallel_loop3A_89 : vector<16xf32>
      %parallel_loop3A_91 = arith.constant 57344 : i32
      %parallel_loop3A_92 = arith.addi %parallel_loop3A_91, %parallel_loop3A_23 : i32
      %parallel_loop3A_93 = arith.index_cast %parallel_loop3A_92 : i32 to index
      %parallel_loop3A_94 = tpu.vector_load %arg7[%parallel_loop3A_93] {strides = array<i32>} : memref<65536xf32, #tpu.memory_space<vmem>>, vector<16xf32>,
      %parallel_loop3A_95 = arith.addf %parallel_loop3A_90, %parallel_loop3A_94 : vector<16xf32>
      %parallel_loop3A_96 = arith.constant 61440 : i32
      %parallel_loop3A_97 = arith.addi %parallel_loop3A_96, %parallel_loop3A_23 : i32
      %parallel_loop3A_98 = arith.index_cast %parallel_loop3A_97 : i32 to index
      %parallel_loop3A_99 = tpu.vector_load %arg7[%parallel_loop3A_98] {strides = array<i32>} : memref<65536xf32, #tpu.memory_space<vmem>>, vector<16xf32>,
      %parallel_loop3A_100 = arith.addf %parallel_loop3A_95, %parallel_loop3A_99 : vector<16xf32>
      %parallel_loop3A_101 = arith.index_cast %parallel_loop3A_23 : i32 to index
      %parallel_loop3A_102 = tpu.vector_load %arg8[%parallel_loop3A_101] {strides = array<i32>} : memref<4096xf32, #tpu.memory_space<vmem>>, vector<16xf32>,
      tpu.vector_store %arg8[%parallel_loop3A_101], %parallel_loop3A_100 {strides = array<i32>} : memref<4096xf32, #tpu.memory_space<vmem>>, vector<16xf32>,
    } {sc.loop_unroll_factor = 8 : i64, sc.parallel_access}
    "tpu.region"() ({
      %run_scoped3A = tpu.sem_alloc : memref<!tpu.dma_semaphore, #tpu.memory_space<semaphore_mem>>
      %dma_start3A_21 = arith.constant 0 : i32
      %dma_start3A_22 = tpu.memref_slice %arg4[%add3A, %dma_start3A_21] : memref<32x4096xf32, #tpu.memory_space<hbm>> -> memref<1x4096xf32, #tpu.memory_space<hbm>>
      %dma_start3A_23 = tpu.memref_squeeze %dma_start3A_22 : memref<1x4096xf32, #tpu.memory_space<hbm>> -> memref<4096xf32, #tpu.memory_space<hbm>>
      %dma_start3A_24 = arith.constant 0 : i32
      %dma_start3A_25 = tpu.memref_slice %arg4[%add3A, %dma_start3A_24] : memref<32x4096xf32, #tpu.memory_space<hbm>> -> memref<1x4096xf32, #tpu.memory_space<hbm>>
      %dma_start3A_26 = tpu.memref_squeeze %dma_start3A_25 : memref<1x4096xf32, #tpu.memory_space<hbm>> -> memref<4096xf32, #tpu.memory_space<hbm>>
      tpu.enqueue_dma source(%arg8 : memref<4096xf32, #tpu.memory_space<vmem>>) target(%dma_start3A_26 : memref<4096xf32, #tpu.memory_space<hbm>>) target_semaphore(%run_scoped3A : memref<!tpu.dma_semaphore, #tpu.memory_space<semaphore_mem>>)
      %dma_wait3A_27 = arith.constant 0 : i32
      %dma_wait3A_28 = tpu.memref_slice %arg4[%add3A, %dma_wait3A_27] : memref<32x4096xf32, #tpu.memory_space<hbm>> -> memref<1x4096xf32, #tpu.memory_space<hbm>>
      %dma_wait3A_29 = tpu.memref_squeeze %dma_wait3A_28 : memref<1x4096xf32, #tpu.memory_space<hbm>> -> memref<4096xf32, #tpu.memory_space<hbm>>
      %dma_wait3A_30 = arith.constant 0 : i32
      %dma_wait3A_31 = tpu.memref_slice %arg4[%add3A, %dma_wait3A_30] : memref<32x4096xf32, #tpu.memory_space<hbm>> -> memref<1x4096xf32, #tpu.memory_space<hbm>>
      %dma_wait3A_32 = tpu.memref_squeeze %dma_wait3A_31 : memref<1x4096xf32, #tpu.memory_space<hbm>> -> memref<4096xf32, #tpu.memory_space<hbm>>
      tpu.wait_dma2 semaphore(%run_scoped3A : memref<!tpu.dma_semaphore, #tpu.memory_space<semaphore_mem>>) src(%arg8 : memref<4096xf32, #tpu.memory_space<vmem>>) dst(%dma_wait3A_32 : memref<4096xf32, #tpu.memory_space<hbm>>)
      tpu.yield
    }) : () -> ()
    return
  }
}

module attributes {stable_mosaic.version = 14 : i64} {
  func.func @_matvec_body(%arg0: i32, %arg1: memref<16000x128xf32, #tpu.memory_space<vmem>>, %arg2: memref<1x128xf32, #tpu.memory_space<vmem>>, %arg3: memref<1x1x16000xf32, #tpu.memory_space<vmem>>) attributes {dimension_semantics = [#tpu.dimension_semantics<arbitrary>], iteration_bounds = array<i64: 20>, scalar_prefetch = 0 : i64, scratch_operands = 0 : i64, tpu.core_type = #tpu.core_type<tc>, window_params = [{transform_indices = @transform_0, window_bounds = array<i64: 16000, 128>}, {pipeline_mode = #tpu.pipeline_mode<synchronous>, transform_indices = @transform_1, window_bounds = array<i64: 1, 128>}, {transform_indices = @transform_2, window_bounds = array<i64: 1, 1, 16000>}]} {
    %get3A = arith.constant 0 : index
    %get3A_0 = arith.constant 0 : index
    %get3A_1 = vector.load %arg2[%get3A, %get3A_0] : memref<1x128xf32, #tpu.memory_space<vmem>>, vector<1x128xf32>
    %get3A_2 = arith.constant 0 : index
    %get3A_3 = arith.constant 0 : index
    %get3A_4 = vector.load %arg1[%get3A_2, %get3A_3] : memref<16000x128xf32, #tpu.memory_space<vmem>>, vector<16000x128xf32>
    %dot_general3A = arith.constant dense<0.000000e+00> : vector<1x16000xf32>
    %dot_general3A_5 = tpu.matmul %get3A_1, %get3A_4, %dot_general3A {dimension_numbers = #tpu.dot_dimension_numbers<[1], [1], [0], [0], [0, 0, 1, 0], [], []>, transpose_lhs_hint = false} : vector<1x128xf32>, vector<16000x128xf32>, vector<1x16000xf32> -> vector<1x16000xf32>
    %swap3A = arith.constant 0 : index
    %swap3A_6 = arith.constant 0 : index
    %swap3A_7 = arith.constant 0 : index
    %swap3A_8 = vector.load %arg3[%swap3A, %swap3A_6, %swap3A_7] : memref<1x1x16000xf32, #tpu.memory_space<vmem>>, vector<1x1x16000xf32>
    %swap3A_9 = vector.shape_cast %swap3A_8 : vector<1x1x16000xf32> to vector<1x16000xf32>
    %swap3A_10 = vector.shape_cast %dot_general3A_5 : vector<1x16000xf32> to vector<1x1x16000xf32>
    tpu.vector_store %arg3[%swap3A, %swap3A_6, %swap3A_7], %swap3A_10 {strides = array<i32>} : memref<1x1x16000xf32, #tpu.memory_space<vmem>>, vector<1x1x16000xf32>,
    return
  }
  func.func @transform_0(%arg0: i32) -> (i32, i32) {
    %c0_i32 = arith.constant 0 : i32
    %c0_i32_0 = arith.constant 0 : i32
    return %arg0, %c0_i32 : i32, i32
  }
  func.func @transform_1(%arg0: i32) -> (i32, i32) {
    %c0_i32 = arith.constant 0 : i32
    %c0_i32_0 = arith.constant 0 : i32
    %c0_i32_1 = arith.constant 0 : i32
    return %c0_i32, %c0_i32_0 : i32, i32
  }
  func.func @transform_2(%arg0: i32) -> (i32, i32, i32) {
    %c0_i32 = arith.constant 0 : i32
    %c0_i32_0 = arith.constant 0 : i32
    %c0_i32_1 = arith.constant 0 : i32
    return %arg0, %c0_i32, %c0_i32_0 : i32, i32, i32
  }
}

module attributes {stable_mosaic.version = 14 : i64} {
  func.func @_reduce_body(%arg0: i32, %arg1: memref<32x2048xf32, #tpu.memory_space<vmem>>, %arg2: memref<1x2048xf32, #tpu.memory_space<vmem>>) attributes {dimension_semantics = [#tpu.dimension_semantics<arbitrary>], iteration_bounds = array<i64: 2>, scalar_prefetch = 0 : i64, scratch_operands = 0 : i64, tpu.core_type = #tpu.core_type<tc>, window_params = [{transform_indices = @transform_0, window_bounds = array<i64: 32, 2048>}, {transform_indices = @transform_1, window_bounds = array<i64: 1, 2048>}]} {
    %get3A = arith.constant 0 : index
    %get3A_0 = arith.constant 0 : index
    %get3A_1 = vector.load %arg1[%get3A, %get3A_0] : memref<32x2048xf32, #tpu.memory_space<vmem>>, vector<32x2048xf32>
    %reduce_sum3A = arith.constant dense<0.000000e+00> : vector<2048xf32>
    %reduce_sum3A_2 = vector.multi_reduction <add>, %get3A_1, %reduce_sum3A [0] : vector<32x2048xf32> to vector<2048xf32>
    %broadcast_in_dim3A = vector.shape_cast %reduce_sum3A_2 : vector<2048xf32> to vector<1x2048xf32>
    %swap3A = arith.constant 0 : index
    %swap3A_3 = arith.constant 0 : index
    %swap3A_4 = vector.load %arg2[%swap3A, %swap3A_3] : memref<1x2048xf32, #tpu.memory_space<vmem>>, vector<1x2048xf32>
    tpu.vector_store %arg2[%swap3A, %swap3A_3], %broadcast_in_dim3A {strides = array<i32>} : memref<1x2048xf32, #tpu.memory_space<vmem>>, vector<1x2048xf32>,
    return
  }
  func.func @transform_0(%arg0: i32) -> (i32, i32) {
    %c0_i32 = arith.constant 0 : i32
    %c0_i32_0 = arith.constant 0 : i32
    return %c0_i32, %arg0 : i32, i32
  }
  func.func @transform_1(%arg0: i32) -> (i32, i32) {
    %c0_i32 = arith.constant 0 : i32
    %c0_i32_0 = arith.constant 0 : i32
    return %c0_i32, %arg0 : i32, i32
  }
}

</mosaic_0001>

<sc_bundles>
// kernel: kernel.5.cloned.1.call-start
scs
__scs_entry_jumppad:
0x0: {  	(pc) =	sbr.rel $0x88, $3  }
0x1: {  	(tag) =	ssettag $0x0;
	lr =	simm.s32 $0x1  }
0x2: {  	[smem:$0x3F9E] =	sst lr;
	_ =	strace $0xD0000000  }
0x3: {  	_ = 	snop  }
0x4: {  	_ = 	snop  }
0x5: {  	_ = 	snop  }
0x6: {  	_ = 	snop  }
0x7: {  	_ = 	snop  }
__scs_overlays_trampoline_lowered:
0x8: {  	[smem:$0x3FAD] =	sst s0  }
0x9: {  	[smem:$0x3FAE] =	sst s1  }
0xa: {  	[smem:$0x3FAF] =	sst s2  }
0xb: {  	[smem:$0x3FB0] =	sst s3  }
0xc: {  	[smem:$0x3FB1] =	sst s4  }
0xd: {  	[smem:$0x3FB2] =	sst s5  }
0xe: {  	[smem:$0x3FB3] =	sst s6  }
0xf: {  	[smem:$0x3FB4] =	sst s7  }
0x10: {  	[smem:$0x3FB5] =	sst s8  }
0x11: {  	[smem:$0x3FB6] =	sst s9;
	s0 =	simm.s32 @!p0 $0x0  }
0x12: {  	s1 =	sld [smem:$0x3F9C];
	s0 =	simm.s32 @p0 $0x1  }
0x13: {  	[smem:$0x3FB7] =	sst s0;
	s0 =	simm.s32 @!p1 $0x0  }
0x14: {  	s2 =	sld [smem:$0x3F9B];
	s0 =	simm.s32 @p1 $0x1  }
0x15: {  	[smem:$0x3FB8] =	sst s0;
	s0 =	simm.s32 @!p2 $0x0  }
0x16: {  	s3 =	sld [smem:$0x3FDB];
	s0 =	simm.s32 @p2 $0x1  }
0x17: {  	s4 =	simm.s32 $0x1BF5;
	[smem:$0x3FBA] =	sst s0  }
0x18: {  	s0 =	sld [smem:$0x3F9D];
	_ =	swait.ge [sflag:s4], $0x0  }
0x19: {  	s7 =	sld [smem:$0x3F9E]  }
0x1a: {  	s8 =	sadd.s32 $0xFFFFE003, lr  }
0x1b: {  	s9 =	sadd.s32 $0xFFFFFEF7, lr;
	s5 =	simm.s32 $0xFFFFFFFF;
	p2 =	slt.u32 s8, $0xFFFFF086  }
0x1c: {  	p1 =	slt.u32 s9, $0xF7A;
	s5 =	simm.s32 @!p2 $0x0  }
0x1d: {  	s5 =	simm.s32 @p1 $0x1;
	p0 =	seq.s32 s7, s2  }
0x1e: {  	s7 =	smul.u32 @!p0 $0xF7A, s2;
	p2 =	seq.s32 @!p0 s5, $0x0  }
0x1f: {  	s9 =	smul.u32 $0xF7A, s1;
	s8 =	simm.s32 @!p0 $0x1BF5;
	p2 =	por !p2, p0  }
0x20: {  	[sflag:s8] =	ssyncset.s32 @!p0 $0xFFFFF086;
	s6 =	sadd.s32 @!p0 s3, s7;
	s7 =	simm.s32 @!p0 $0x108  }
0x21: {  	s3 =	sadd.s32 s3, s9;
	s6 =	sadd.s32 @!p0 $0x88, s6;
	s7 =	simm.s32 @p2 $0x1082  }
0x22: {  	[simem:s7], [sflag:s8] =	dma.local @!p0 [hbm:s6], $0xF7A  }
0x23: {  	s9 =	sor.u32 $0xD0000000, s2;
	s6 =	simm.s32 $0x108;
	_ =	swait.ge @!p0 [sflag:s8], $0x0  }
0x24: {  	s3 =	sadd.s32 $0x88, s3;
	s6 =	simm.s32 @!p1 $0x1082;
	[sflag:s4] =	ssyncset.s32 $0xFFFFF086  }
0x25: {  	[simem:s6], [sflag:s4] =	dma.local [hbm:s3], $0xF7A  }
0x26: {  	[smem:$0x3F9E] =	sst s1;
	(tag) =	ssettag s2;
	_ =	strace s9  }
0x27: {  	s1 =	sld [smem:$0x3FAE]  }
0x28: {  	s2 =	sld [smem:$0x3FAF]  }
0x29: {  	s4 =	sld [smem:$0x3FB1]  }
0x2a: {  	p0 =	seq.s32 s5, $0x0;
	s5 =	sld [smem:$0x3FB2]  }
0x2b: {  	s6 =	sld [smem:$0x3FB3]  }
0x2c: {  	s7 =	sld [smem:$0x3FB4]  }
0x2d: {  	s3 =	simm.s32 $0x108;
	s8 =	sld [smem:$0x3FB5]  }
0x2e: {  	s3 =	simm.s32 @!p0 $0x1082;
	s9 =	sld [smem:$0x3FB6]  }
0x2f: {  	lr =	sadd.s32 s0, s3;
	s0 =	sld [smem:$0x3FAD]  }
0x30: {  	s3 =	sld [smem:$0x3FB0]  }
0x31: {  	[smem:$0x3FB9] =	sst s10  }
0x32: {  	s10 =	sld [smem:$0x3FB7];
	_ =	sdelay $0x3  }
0x33: {  	p0 =	seq.s32 s10, $0x1;
	s10 =	sld [smem:$0x3FB9];
	_ =	sdelay $0x3  }
0x34: {  	[smem:$0x3FB9] =	sst s10  }
0x35: {  	s10 =	sld [smem:$0x3FB8];
	_ =	sdelay $0x3  }
0x36: {  	p1 =	seq.s32 s10, $0x1;
	s10 =	sld [smem:$0x3FB9];
	_ =	sdelay $0x3  }
0x37: {  	[smem:$0x3FB9] =	sst s10  }
0x38: {  	s10 =	sld [smem:$0x3FBA]  }
0x39: {  	_ = 	snop;
	(pc) =	sbr.ind lr, $3  }
0x3a: {  	_ = 	snop  }
0x3b: {  	_ = 	snop  }
0x3c: {  	p2 =	seq.s32 s10, $0x1;
	s10 =	sld [smem:$0x3FB9]  }
0x3d: {  	_ =	shalt  }
0x3e: {  	_ =	shalt  }
0x3f: {  	_ =	shalt  }
0x40: {  	_ =	shalt  }
0x41: {  	_ =	shalt  }
0x42: {  	_ =	shalt  }
0x43: {  	_ =	shalt  }
0x44: {  	_ =	shalt  }
0x45: {  	_ =	shalt  }
0x46: {  	_ =	shalt  }
0x47: {  	_ =	shalt  }
0x48: {  	_ =	shalt  }
0x49: {  	_ =	shalt  }
0x4a: {  	_ =	shalt  }
0x4b: {  	_ =	shalt  }
0x4c: {  	_ =	shalt  }
0x4d: {  	_ =	shalt  }
0x4e: {  	_ =	shalt  }
0x4f: {  	_ =	shalt  }
0x50: {  	_ =	shalt  }
0x51: {  	_ =	shalt  }
0x52: {  	_ =	shalt  }
0x53: {  	_ =	shalt  }
0x54: {  	_ =	shalt  }
0x55: {  	_ =	shalt  }
0x56: {  	_ =	shalt  }
0x57: {  	_ =	shalt  }
0x58: {  	_ =	shalt  }
0x59: {  	_ =	shalt  }
0x5a: {  	_ =	shalt  }
0x5b: {  	_ =	shalt  }
0x5c: {  	_ =	shalt  }
0x5d: {  	_ =	shalt  }
0x5e: {  	_ =	shalt  }
0x5f: {  	_ =	shalt  }
0x60: {  	_ =	shalt  }
0x61: {  	_ =	shalt  }
0x62: {  	_ =	shalt  }
0x63: {  	_ =	shalt  }
0x64: {  	_ =	shalt  }
0x65: {  	_ =	shalt  }
0x66: {  	_ =	shalt  }
0x67: {  	_ =	shalt  }
0x68: {  	_ =	shalt  }
0x69: {  	_ =	shalt  }
0x6a: {  	_ =	shalt  }
0x6b: {  	_ =	shalt  }
0x6c: {  	_ =	shalt  }
0x6d: {  	_ =	shalt  }
0x6e: {  	_ =	shalt  }
0x6f: {  	_ =	shalt  }
0x70: {  	_ =	shalt  }
0x71: {  	_ =	shalt  }
0x72: {  	_ =	shalt  }
0x73: {  	_ =	shalt  }
0x74: {  	_ =	shalt  }
0x75: {  	_ =	shalt  }
0x76: {  	_ =	shalt  }
0x77: {  	_ =	shalt  }
0x78: {  	_ =	shalt  }
0x79: {  	_ =	shalt  }
0x7a: {  	_ =	shalt  }
0x7b: {  	_ =	shalt  }
0x7c: {  	_ =	shalt  }
0x7d: {  	_ =	shalt  }
0x7e: {  	_ =	shalt  }
0x7f: {  	_ =	shalt  }
0x80: {  	_ =	shalt  }
0x81: {  	_ =	shalt  }
0x82: {  	_ =	shalt  }
0x83: {  	_ =	shalt  }
0x84: {  	_ =	shalt  }
0x85: {  	_ =	shalt  }
0x86: {  	_ =	shalt  }
0x87: {  	_ =	shalt  }
.Lfunc_end0:
.L_simem_size_0:
called_computation_lowered:
.L_overlay_start_0:
0x88: {  	s2 =	sld [smem:$0x3FD9]  }
0x89: {  	s3 =	sld [smem:$0x3FFE];
	_ =	sdelay $0x1  }
0x8a: {  	s1 =	srdreg.scid  }
0x8b: {  	s0 =	sand.u32 $0x1, s1  }
0x8c: {  	s17 =	sshll.u32 s0, $0xA;
	s2 =	sadd.s32 s3, s2  }
0x8d: {  	s2 =	sadd.s32 s2, s17  }
0x8e: {  	[smem:$0x3FC5] =	sst s2  }
0x8f: {  	_ = 	snop  }
0x90: {  	s2 =	sld [smem:$0x3FC8];
	(tm) =	ssettm $0x1  }
0x91: {  	s18 =	sld [smem:$0x3FFB];
	_ =	sdelay $0x3  }
0x92: {  	_ =	strace s18  }
0x93: {  	s3 =	sld [smem:$0x3FFC];
	_ =	sdelay $0x3  }
0x94: {  	_ =	strace s3  }
0x95: {  	s3 =	sld [smem:$0x3FFD];
	_ =	sdelay $0x3  }
0x96: {  	_ =	strace s3  }
0x97: {  	_ =	strace $0x8FFFFFFF  }
0x98: {  	s19 =	sld [smem:$0x3FDB];
	_ =	sdelay $0x1  }
0x99: {  	s4 =	simm.s32 $_scs_section_size  }
0x9a: {  	s5 =	simm.s32 $_size__tile_overlayer_lowered;
	s6 =	simm.s32 $_tile_overlayer_lowered  }
0x9b: {  	s22 =	simm.s32 $0x1BFF;
	s21 =	sshll.u32 s6, $0x1;
	s3 =	sadd.s32 s4, s19  }
0x9c: {  	s7 =	simm.s32 $0x0;
	s20 =	sshll.u32 s5, $0x1;
	s5 =	sadd.s32 s21, s3  }
0x9d: {  	[timem:s7], [sflag:s22] =	dma.local [hbm:s5], s20  }
0x9e: {  	_ =	swait.ge [sflag:s22], s20  }
0x9f: {  	s4 =	ssub.s32 $0x0, s20;
	[sflag:s22] =	ssyncset.done $0x0  }
0xa0: {  	[sflag:s22] =	ssyncadd.s32 s4;
	_ =	sdelay $0x1  }
0xa1: {  	s23 =	simm.s32 $0x1B8B  }
0xa2: {  	_ =	swait.ge [sflag:s23], $0x1  }
0xa3: {  	[sflag:s23] =	ssyncset.done $0x0  }
0xa4: {  	s25 =	simm.s32 $0x1B8E;
	s24 =	sld [smem:$0x3FFE];
	[sflag:s23] =	ssyncadd.s32 $0xFFFFFFFF  }
0xa5: {  	s26 =	simm.s32 $execute0_lowered;
	[smem:$0x3FD2] =	sst s25  }
0xa6: {  	s5 =	sshll.u32 s26, $0x1;
	_ =	strace $0x80000046;
	[dreg:$0x1] =	wrdreg $0xFFFFFFFF  }
0xa7: {  	s28 =	simm.s32 $_size_execute0_lowered;
	s3 =	sadd.s32 s3, s5;
	[dreg:$0x0] =	wrdreg $0x0  }
0xa8: {  	s5 =	sshll.u32 s28, $0x1;
	[dreg:$0x2] =	wrdreg s3  }
0xa9: {  	[dreg:$0x3] =	wrdreg s5  }
0xaa: {  	[dreg:$0x4] =	wrdreg $0xC0  }
0xab: {  	_ =	task [dreg:s7], $0x5FFFF  }
0xac: {  	[dreg:$0x1] =	wrdreg $0xFFFFFFFF  }
0xad: {  	[dreg:$0x0] =	wrdreg $0x60  }
0xae: {  	[dreg:$0x2] =	wrdreg s2  }
0xaf: {  	[dreg:$0x3] =	wrdreg s24  }
0xb0: {  	[dreg:$0x4] =	wrdreg $0x9  }
0xb1: {  	_ =	task.clear_ibuf [dreg:s7], $0x5FFFF;
	_ =	strace $0x90000046  }
0xb2: {  	s29 =	simm.s32 $0x9;
	_ =	strace $0x80000048  }
0xb3: {  	_ =	swait.ge [sflag:s29], $0x1  }
0xb4: {  	[sflag:s29] =	ssyncadd.s32 $0xFFFFFFFF  }
0xb5: {  	_ =	strace $0x90000048  }
0xb6: {  	_ =	sfence  }
0xb7: {  	s30 =	sld [smem:$0x0];
	_ =	sdelay $0x2  }
0xb8: {  	s31 =	sshll.u32 s1, $0xD;
	s1 =	sshrl.u32 s1, $0x2  }
0xb9: {  	s3 =	sand.u32 $0x4000, s31;
	s1 =	sadd.s32 s1, s30  }
0xba: {  	s0 =	sor.u32 s3, s0;
	s1 =	sshll.u32 s1, $0x11  }
0xbb: {  	s0 =	sor.u32 s1, s0  }
0xbc: {  	s0 =	sadd.s32 $0x8F2B, s0  }
0xbd: {  	[sflag:s0] =	ssyncadd.remote.s32 $0x1  }
0xbe: {  	_ =	sfence.sel $0xFFFF  }
0xbf: {  	[dreg:$0x0] =	wrdreg $0xFFFFFFFF;
	(pc) =	sbr.abs _section_cstart, $3  }
0xc0: {  	[dreg:$0x1] =	wrdreg $0xFFFFFFFF  }
0xc1: {  	_ =	task.clear_ibuf [dreg:s7], $0x2FFFF;
	_ =	strace $0x9FFFFFFF  }
0xc2: {  	(tm) =	ssettm $0x7FFFFFFF  }
0xc3: {  	_ =	shalt  }
tec
execute0_lowered:
.L_overlay_start_1:
0x0: {  	(tag) =	ssettag $0x1  }
0x1: {  	s1 =	srdreg.scid;
	s3 =	rddreg [dreg:$0x0]  }
0x2: {  	s0 =	stileid.u32;
	s5 =	rddreg [dreg:$0x1];
	s2 =	simm.s32 $0x0  }
0x3: {  	s10 =	simm.s32 $0x4F00;
	s11 =	simm.s32 $0x80;
	s12 =	simm.s32 $0x400  }
0x4: {  	s13 =	simm.s32 $0x14F00;
	s14 =	simm.s32 $0x3;
	s15 =	simm.s32 $0x0  }
0x5: {  	s4 =	sand.u32 $0x1, s1;
	s30 =	sshll.u32 s0, $0x1;
	s1 =	rddreg [dreg:$0x2]  }
0x6: {  	[smem:$0x7FF] =	sst s2;
	s9 =	sshll.u32 s0, $0xA;
	s6 =	sor.u32 s4, s30  }
0x7: {  	_ =	strace $0x80000047;
	s4 =	ssub.s32 $0x2, s4;
	s7 =	smul.u32 $0x4E2, s6  }
0x8: {  	s9 =	sand.u32 $0x3000, s9;
	s6 =	sshll.u32 s6, $0x4;
	s31 =	sshrl.u32 s4, $0x1  }
0x9: {  	s6 =	sand.u32 $0x70, s6;
	s8 =	sadd.s32 s7, s5;
	s5 =	sadd.s32 s9, s5  }
0xa: {  	s9 =	ssub.s32 s4, s31;
	s3 =	sadd.s32 s3, s7;
	s7 =	simm.s32 $0x2780  }
0xb: {  	v1 =	vlaneseq.u32;
	s5 =	sadd.s32 s6, s5;
	s4 =	sadd.s32 $0x400, s8;
	s6 =	smax.u32 s9, $0x1  }
0xc: {  	v0 =	vimm.f32 $0.0e+00;
	v1 =	vmul.u32 $0x1000, v1;
	s8 =	simm.s32 $0x1;
	s9 =	simm.s32 $0x2;
	s5 =	sadd.s32 $0xA200, s5  }
.LBB2_1:
0xd: {  	[tilespmem:s2], [sflag:$0x1] =	stream.linear.gather [hbm4b:s3+s2], $0x2710, $0x38;
	[tilespmem:$0x15F00] =	vst v63  }
0xe: {  	s16 =	simm.s32 $0x5100  }
0xf: {  	[tilespmem:s7], [sflag:$0x2] =	stream.linear.gather [hbm4b:s4+s2], $0x2710, $0x38;
	[tilespmem:$0x15F00] =	vst v63  }
0x10: {  	[tilespmem:s16+$0xFFFFFE00] =	vst v0  }
0x11: {  	[tilespmem:s16+$0x1F0] =	vst v0  }
0x12: {  	[tilespmem:s16+$0x1E0] =	vst v0  }
0x13: {  	[tilespmem:s16+$0x1D0] =	vst v0  }
0x14: {  	[tilespmem:s16+$0x1C0] =	vst v0  }
0x15: {  	[tilespmem:s16+$0x1B0] =	vst v0  }
0x16: {  	[tilespmem:s16+$0x1A0] =	vst v0  }
0x17: {  	[tilespmem:s16+$0x190] =	vst v0  }
0x18: {  	[tilespmem:s16+$0x180] =	vst v0  }
0x19: {  	[tilespmem:s16+$0x170] =	vst v0  }
0x1a: {  	[tilespmem:s16+$0x160] =	vst v0  }
0x1b: {  	[tilespmem:s16+$0x150] =	vst v0  }
0x1c: {  	[tilespmem:s16+$0x140] =	vst v0  }
0x1d: {  	[tilespmem:s16+$0x130] =	vst v0  }
0x1e: {  	[tilespmem:s16+$0x120] =	vst v0  }
0x1f: {  	[tilespmem:s16+$0x110] =	vst v0  }
0x20: {  	[tilespmem:s16+$0x100] =	vst v0  }
0x21: {  	[tilespmem:s16+$0xF0] =	vst v0  }
0x22: {  	[tilespmem:s16+$0xE0] =	vst v0  }
0x23: {  	[tilespmem:s16+$0xD0] =	vst v0  }
0x24: {  	[tilespmem:s16+$0xC0] =	vst v0  }
0x25: {  	[tilespmem:s16+$0xB0] =	vst v0  }
0x26: {  	[tilespmem:s16+$0xA0] =	vst v0  }
0x27: {  	[tilespmem:s16+$0x90] =	vst v0  }
0x28: {  	[tilespmem:s16+$0x80] =	vst v0  }
0x29: {  	[tilespmem:s16+$0x70] =	vst v0  }
0x2a: {  	[tilespmem:s16+$0x60] =	vst v0  }
0x2b: {  	[tilespmem:s16+$0x50] =	vst v0  }
0x2c: {  	[tilespmem:s16+$0x40] =	vst v0  }
0x2d: {  	[tilespmem:s16+$0x30] =	vst v0  }
0x2e: {  	[tilespmem:s16+$0x20] =	vst v0  }
0x2f: {  	[tilespmem:s16+$0x10] =	vst v0  }
0x30: {  	[tilespmem:s16+$0x0] =	vst v0  }
0x31: {  	[tilespmem:s16+$0xFFFFFFF0] =	vst v0  }
0x32: {  	[tilespmem:s16+$0xFFFFFFE0] =	vst v0  }
0x33: {  	[tilespmem:s16+$0xFFFFFFD0] =	vst v0  }
0x34: {  	[tilespmem:s16+$0xFFFFFFC0] =	vst v0  }
0x35: {  	[tilespmem:s16+$0xFFFFFFB0] =	vst v0  }
0x36: {  	[tilespmem:s16+$0xFFFFFFA0] =	vst v0  }
0x37: {  	[tilespmem:s16+$0xFFFFFF90] =	vst v0  }
0x38: {  	[tilespmem:s16+$0xFFFFFF80] =	vst v0  }
0x39: {  	[tilespmem:s16+$0xFFFFFF70] =	vst v0  }
0x3a: {  	[tilespmem:s16+$0xFFFFFF60] =	vst v0  }
0x3b: {  	[tilespmem:s16+$0xFFFFFF50] =	vst v0  }
0x3c: {  	[tilespmem:s16+$0xFFFFFF40] =	vst v0  }
0x3d: {  	[tilespmem:s16+$0xFFFFFF30] =	vst v0  }
0x3e: {  	[tilespmem:s16+$0xFFFFFF20] =	vst v0  }
0x3f: {  	[tilespmem:s16+$0xFFFFFF10] =	vst v0  }
0x40: {  	[tilespmem:s16+$0xFFFFFF00] =	vst v0  }
0x41: {  	[tilespmem:s16+$0xFFFFFEF0] =	vst v0  }
0x42: {  	[tilespmem:s16+$0xFFFFFEE0] =	vst v0  }
0x43: {  	[tilespmem:s16+$0xFFFFFED0] =	vst v0  }
0x44: {  	[tilespmem:s16+$0xFFFFFEC0] =	vst v0  }
0x45: {  	[tilespmem:s16+$0xFFFFFEB0] =	vst v0  }
0x46: {  	[tilespmem:s16+$0xFFFFFEA0] =	vst v0  }
0x47: {  	[tilespmem:s16+$0xFFFFFE90] =	vst v0  }
0x48: {  	[tilespmem:s16+$0xFFFFFE80] =	vst v0  }
0x49: {  	[tilespmem:s16+$0xFFFFFE70] =	vst v0  }
0x4a: {  	[tilespmem:s16+$0xFFFFFE60] =	vst v0  }
0x4b: {  	[tilespmem:s16+$0xFFFFFE50] =	vst v0  }
0x4c: {  	[tilespmem:s16+$0xFFFFFE40] =	vst v0  }
0x4d: {  	[tilespmem:s16+$0xFFFFFE30] =	vst v0  }
0x4e: {  	s17 =	simm.s32 $0x0;
	[tilespmem:s16+$0xFFFFFE20] =	vst v0  }
.LBB2_2:
0x4f: {  	s17 =	sadd.s32 $0x4, s17;
	[tilespmem:s16+$0xFFFFFE10] =	vst v0;
	s16 =	sadd.s32 $0x400, s16  }
0x50: {  	[tilespmem:s16+$0xFFFFFE00] =	vst v0;
	p0 =	slt.u32 s17, $0xFC  }
0x51: {  	[tilespmem:s16+$0x1F0] =	vst v0  }
0x52: {  	[tilespmem:s16+$0x1E0] =	vst v0  }
0x53: {  	[tilespmem:s16+$0x1D0] =	vst v0  }
0x54: {  	[tilespmem:s16+$0x1C0] =	vst v0  }
0x55: {  	[tilespmem:s16+$0x1B0] =	vst v0  }
0x56: {  	[tilespmem:s16+$0x1A0] =	vst v0  }
0x57: {  	[tilespmem:s16+$0x190] =	vst v0  }
0x58: {  	[tilespmem:s16+$0x180] =	vst v0  }
0x59: {  	[tilespmem:s16+$0x170] =	vst v0  }
0x5a: {  	[tilespmem:s16+$0x160] =	vst v0  }
0x5b: {  	[tilespmem:s16+$0x150] =	vst v0  }
0x5c: {  	[tilespmem:s16+$0x140] =	vst v0  }
0x5d: {  	[tilespmem:s16+$0x130] =	vst v0  }
0x5e: {  	[tilespmem:s16+$0x120] =	vst v0  }
0x5f: {  	[tilespmem:s16+$0x110] =	vst v0  }
0x60: {  	[tilespmem:s16+$0x100] =	vst v0  }
0x61: {  	[tilespmem:s16+$0xF0] =	vst v0  }
0x62: {  	[tilespmem:s16+$0xE0] =	vst v0  }
0x63: {  	[tilespmem:s16+$0xD0] =	vst v0  }
0x64: {  	[tilespmem:s16+$0xC0] =	vst v0  }
0x65: {  	[tilespmem:s16+$0xB0] =	vst v0  }
0x66: {  	[tilespmem:s16+$0xA0] =	vst v0  }
0x67: {  	[tilespmem:s16+$0x90] =	vst v0  }
0x68: {  	[tilespmem:s16+$0x80] =	vst v0  }
0x69: {  	[tilespmem:s16+$0x70] =	vst v0  }
0x6a: {  	[tilespmem:s16+$0x60] =	vst v0  }
0x6b: {  	[tilespmem:s16+$0x50] =	vst v0  }
0x6c: {  	[tilespmem:s16+$0x40] =	vst v0  }
0x6d: {  	[tilespmem:s16+$0x30] =	vst v0  }
0x6e: {  	[tilespmem:s16+$0x20] =	vst v0  }
0x6f: {  	[tilespmem:s16+$0x10] =	vst v0  }
0x70: {  	[tilespmem:s16+$0x0] =	vst v0  }
0x71: {  	[tilespmem:s16+$0xFFFFFFF0] =	vst v0  }
0x72: {  	[tilespmem:s16+$0xFFFFFFE0] =	vst v0  }
0x73: {  	[tilespmem:s16+$0xFFFFFFD0] =	vst v0  }
0x74: {  	[tilespmem:s16+$0xFFFFFFC0] =	vst v0  }
0x75: {  	[tilespmem:s16+$0xFFFFFFB0] =	vst v0  }
0x76: {  	[tilespmem:s16+$0xFFFFFFA0] =	vst v0  }
0x77: {  	[tilespmem:s16+$0xFFFFFF90] =	vst v0  }
0x78: {  	[tilespmem:s16+$0xFFFFFF80] =	vst v0  }
0x79: {  	[tilespmem:s16+$0xFFFFFF70] =	vst v0  }
0x7a: {  	[tilespmem:s16+$0xFFFFFF60] =	vst v0  }
0x7b: {  	[tilespmem:s16+$0xFFFFFF50] =	vst v0  }
0x7c: {  	[tilespmem:s16+$0xFFFFFF40] =	vst v0  }
0x7d: {  	[tilespmem:s16+$0xFFFFFF30] =	vst v0  }
0x7e: {  	[tilespmem:s16+$0xFFFFFF20] =	vst v0  }
0x7f: {  	[tilespmem:s16+$0xFFFFFF10] =	vst v0  }
0x80: {  	[tilespmem:s16+$0xFFFFFF00] =	vst v0  }
0x81: {  	[tilespmem:s16+$0xFFFFFEF0] =	vst v0  }
0x82: {  	[tilespmem:s16+$0xFFFFFEE0] =	vst v0  }
0x83: {  	[tilespmem:s16+$0xFFFFFED0] =	vst v0  }
0x84: {  	[tilespmem:s16+$0xFFFFFEC0] =	vst v0  }
0x85: {  	[tilespmem:s16+$0xFFFFFEB0] =	vst v0  }
0x86: {  	[tilespmem:s16+$0xFFFFFEA0] =	vst v0  }
0x87: {  	[tilespmem:s16+$0xFFFFFE90] =	vst v0  }
0x88: {  	[tilespmem:s16+$0xFFFFFE80] =	vst v0  }
0x89: {  	[tilespmem:s16+$0xFFFFFE70] =	vst v0  }
.Ltmp0:
0x8a: {  	[tilespmem:s16+$0xFFFFFE60] =	vst v0;
	(pc) =	sbr.rel @p0 .LBB2_2-.Ltmp0, $4  }
0x8b: {  	[tilespmem:s16+$0xFFFFFE50] =	vst v0  }
0x8c: {  	[tilespmem:s16+$0xFFFFFE40] =	vst v0  }
0x8d: {  	[tilespmem:s16+$0xFFFFFE30] =	vst v0  }
0x8e: {  	[tilespmem:s16+$0xFFFFFE20] =	vst v0  }
0x8f: {  	[tilespmem:s16+$0xFFFFFE10] =	vst v0  }
0x90: {  	_ =	swait.ge [sflag:s8], $0x2710  }
0x91: {  	[sflag:s8] =	ssyncset.done $0x0  }
0x92: {  	[sflag:s8] =	ssyncadd.s32 $0xFFFFD8F0  }
0x93: {  	_ =	swait.ge [sflag:s9], $0x2710  }
0x94: {  	[sflag:s9] =	ssyncset.done $0x0  }
0x95: {  	s17 =	simm.s32 $0x80;
	[sflag:s9] =	ssyncadd.s32 $0xFFFFD8F0  }
0x96: {  	v2 =	vld [tilespmem:s17+$0x70]  }
0x97: {  	v3 =	vld [tilespmem:s17+$0xFFFFFF90]  }
0x98: {  	v4 =	vld [tilespmem:s17+$0xFFFFFFA0]  }
0x99: {  	v5 =	vld [tilespmem:s17+$0xFFFFFFB0]  }
0x9a: {  	s16 =	simm.s32 $0x2800;
	v6 =	vld [tilespmem:s17+$0xFFFFFFC0]  }
0x9b: {  	v7 =	vld [tilespmem:s16+$0x70]  }
0x9c: {  	v8 =	vld [tilespmem:s17+$0xFFFFFFD0]  }
0x9d: {  	v9 =	vld [tilespmem:s17+$0xFFFFFFE0]  }
0x9e: {  	v10 =	vld [tilespmem:s17+$0xFFFFFFF0]  }
0x9f: {  	v11 =	vld [tilespmem:s17+$0x0]  }
0xa0: {  	v58 =	vld [tilespmem:s17+$0x20]  }
0xa1: {  	v12 =	vld [tilespmem:s17+$0x30]  }
0xa2: {  	v13 =	vld [tilespmem:s17+$0x40]  }
0xa3: {  	v14 =	vld [tilespmem:s17+$0x50]  }
0xa4: {  	v15 =	vld [tilespmem:s17+$0x60]  }
0xa5: {  	v16 =	vld [tilespmem:s17+$0xFFFFFF80]  }
0xa6: {  	v17 =	vld [tilespmem:s16+$0xFFFFFF80]  }
0xa7: {  	v18 =	vld [tilespmem:s16+$0xFFFFFF90]  }
0xa8: {  	v19 =	vld [tilespmem:s16+$0xFFFFFFA0]  }
0xa9: {  	v20 =	vld [tilespmem:s16+$0xFFFFFFB0]  }
0xaa: {  	v21 =	vld [tilespmem:s16+$0xFFFFFFC0]  }
0xab: {  	v22 =	vld [tilespmem:s16+$0xFFFFFFD0]  }
0xac: {  	v23 =	vld [tilespmem:s16+$0xFFFFFFE0]  }
0xad: {  	v24 =	vld [tilespmem:s16+$0xFFFFFFF0]  }
0xae: {  	v25 =	vld [tilespmem:s16+$0x0]  }
0xaf: {  	v26 =	vld [tilespmem:s16+$0x10]  }
0xb0: {  	v27 =	vld [tilespmem:s16+$0x20];
	v2 =	vadd.s32 v1, v2  }
0xb1: {  	v28 =	vld [tilespmem:s16+$0x30]  }
0xb2: {  	v29 =	vld [tilespmem:s16+$0x40];
	v16 =	vadd.s32 v1, v16  }
0xb3: {  	v30 =	vld [tilespmem:s16+$0x50];
	v3 =	vadd.s32 v1, v3  }
0xb4: {  	v31 =	vld [tilespmem:s16+$0x60];
	v4 =	vadd.s32 v1, v4  }
0xb5: {  	v5 =	vadd.s32 v1, v5;
	[tilespmem:v2+s10+$0x0] =	vst.idx.add.f32.msk $0xffff, v7  }
0xb6: {  	v6 =	vadd.s32 v1, v6;
	v2 =	vld [tilespmem:s17+$0x10]  }
0xb7: {  	v8 =	vadd.s32 v1, v8;
	[tilespmem:v16+s10+$0x0] =	vst.idx.add.f32.msk $0xffff, v17  }
0xb8: {  	v9 =	vadd.s32 v1, v9;
	[tilespmem:v3+s10+$0x0] =	vst.idx.add.f32.msk $0xffff, v18  }
0xb9: {  	v59 =	vadd.s32 v1, v11;
	[tilespmem:v4+s10+$0x0] =	vst.idx.add.f32.msk $0xffff, v19  }
0xba: {  	v60 =	vadd.s32 v1, v58;
	[tilespmem:v5+s10+$0x0] =	vst.idx.add.f32.msk $0xffff, v20  }
0xbb: {  	v3 =	vadd.s32 v1, v10;
	[tilespmem:v6+s10+$0x0] =	vst.idx.add.f32.msk $0xffff, v21  }
0xbc: {  	v61 =	vadd.s32 v1, v12;
	[tilespmem:v8+s10+$0x0] =	vst.idx.add.f32.msk $0xffff, v22  }
0xbd: {  	v62 =	vadd.s32 v1, v13;
	[tilespmem:v9+s10+$0x0] =	vst.idx.add.f32.msk $0xffff, v23  }
0xbe: {  	v63 =	vadd.s32 v1, v15;
	[tilespmem:v59+s10+$0x0] =	vst.idx.add.f32.msk $0xffff, v25  }
0xbf: {  	[tilespmem:v60+s10+$0x0] =	vst.idx.add.f32.msk $0xffff, v27;
	v2 =	vadd.s32 v1, v2  }
0xc0: {  	[tilespmem:v3+s10+$0x0] =	vst.idx.add.f32.msk $0xffff, v24;
	v3 =	vadd.s32 v1, v14  }
0xc1: {  	[tilespmem:v61+s10+$0x0] =	vst.idx.add.f32.msk $0xffff, v28  }
0xc2: {  	[tilespmem:v62+s10+$0x0] =	vst.idx.add.f32.msk $0xffff, v29  }
0xc3: {  	[tilespmem:v63+s10+$0x0] =	vst.idx.add.f32.msk $0xffff, v31  }
0xc4: {  	[tilespmem:v2+s10+$0x0] =	vst.idx.add.f32.msk $0xffff, v26  }
0xc5: {  	s18 =	simm.s32 $0x180;
	s17 =	simm.s32 $0x0;
	[tilespmem:v3+s10+$0x0] =	vst.idx.add.f32.msk $0xffff, v30  }
.LBB2_4:
0xc6: {  	v2 =	vld [tilespmem:s18+$0x70];
	s17 =	sadd.s32 $0x10, s17  }
0xc7: {  	v3 =	vld [tilespmem:s18+$0xFFFFFF90];
	p0 =	slt.u32 s17, $0x260  }
0xc8: {  	v4 =	vld [tilespmem:s18+$0xFFFFFFA0]  }
0xc9: {  	v5 =	vld [tilespmem:s18+$0xFFFFFFB0]  }
0xca: {  	s16 =	sadd.s32 $0x100, s16;
	v6 =	vld [tilespmem:s18+$0xFFFFFFC0]  }
0xcb: {  	v7 =	vld [tilespmem:s16+$0x70];
	v2 =	vadd.s32 v1, v2  }
0xcc: {  	v3 =	vadd.s32 v1, v3;
	v8 =	vld [tilespmem:s18+$0xFFFFFFD0]  }
0xcd: {  	v4 =	vadd.s32 v1, v4;
	v9 =	vld [tilespmem:s18+$0xFFFFFFE0]  }
0xce: {  	v5 =	vadd.s32 v1, v5;
	v10 =	vld [tilespmem:s18+$0xFFFFFFF0]  }
0xcf: {  	v6 =	vadd.s32 v1, v6;
	v11 =	vld [tilespmem:s18+$0x0]  }
0xd0: {  	[tilespmem:v2+s10+$0x0] =	vst.idx.add.f32.msk $0xffff, v7  }
0xd1: {  	v2 =	vadd.s32 v1, v8;
	v7 =	vld [tilespmem:s18+$0x10]  }
0xd2: {  	v8 =	vadd.s32 v1, v9;
	v9 =	vld [tilespmem:s18+$0x20]  }
0xd3: {  	v10 =	vadd.s32 v1, v10;
	v12 =	vld [tilespmem:s18+$0x30]  }
0xd4: {  	v11 =	vadd.s32 v1, v11;
	v13 =	vld [tilespmem:s18+$0x40]  }
0xd5: {  	v14 =	vld [tilespmem:s18+$0x50]  }
0xd6: {  	v7 =	vadd.s32 v1, v7;
	v15 =	vld [tilespmem:s18+$0x60]  }
0xd7: {  	v16 =	vld [tilespmem:s18+$0xFFFFFF80];
	v9 =	vadd.s32 v1, v9  }
0xd8: {  	v17 =	vld [tilespmem:s16+$0xFFFFFF80];
	v12 =	vadd.s32 v1, v12  }
0xd9: {  	v18 =	vld [tilespmem:s16+$0xFFFFFF90];
	v13 =	vadd.s32 v1, v13  }
0xda: {  	v19 =	vld [tilespmem:s16+$0xFFFFFFA0];
	v14 =	vadd.s32 v1, v14  }
0xdb: {  	v20 =	vld [tilespmem:s16+$0xFFFFFFB0];
	v15 =	vadd.s32 v1, v15  }
0xdc: {  	v16 =	vadd.s32 v1, v16;
	v21 =	vld [tilespmem:s16+$0xFFFFFFC0]  }
0xdd: {  	v22 =	vld [tilespmem:s16+$0xFFFFFFD0]  }
0xde: {  	v23 =	vld [tilespmem:s16+$0xFFFFFFE0]  }
0xdf: {  	v24 =	vld [tilespmem:s16+$0xFFFFFFF0]  }
0xe0: {  	v25 =	vld [tilespmem:s16+$0x0]  }
0xe1: {  	v26 =	vld [tilespmem:s16+$0x10]  }
0xe2: {  	v27 =	vld [tilespmem:s16+$0x20]  }
0xe3: {  	v28 =	vld [tilespmem:s16+$0x30]  }
0xe4: {  	v29 =	vld [tilespmem:s16+$0x40]  }
0xe5: {  	v30 =	vld [tilespmem:s16+$0x50]  }
0xe6: {  	v31 =	vld [tilespmem:s16+$0x60]  }
0xe7: {  	[tilespmem:v16+s10+$0x0] =	vst.idx.add.f32.msk $0xffff, v17  }
0xe8: {  	[tilespmem:v3+s10+$0x0] =	vst.idx.add.f32.msk $0xffff, v18  }
0xe9: {  	[tilespmem:v4+s10+$0x0] =	vst.idx.add.f32.msk $0xffff, v19  }
0xea: {  	[tilespmem:v5+s10+$0x0] =	vst.idx.add.f32.msk $0xffff, v20  }
0xeb: {  	[tilespmem:v6+s10+$0x0] =	vst.idx.add.f32.msk $0xffff, v21  }
0xec: {  	[tilespmem:v2+s10+$0x0] =	vst.idx.add.f32.msk $0xffff, v22  }
0xed: {  	[tilespmem:v8+s10+$0x0] =	vst.idx.add.f32.msk $0xffff, v23  }
0xee: {  	[tilespmem:v10+s10+$0x0] =	vst.idx.add.f32.msk $0xffff, v24  }
0xef: {  	[tilespmem:v11+s10+$0x0] =	vst.idx.add.f32.msk $0xffff, v25  }
0xf0: {  	[tilespmem:v7+s10+$0x0] =	vst.idx.add.f32.msk $0xffff, v26  }
.Ltmp1:
0xf1: {  	[tilespmem:v9+s10+$0x0] =	vst.idx.add.f32.msk $0xffff, v27;
	(pc) =	sbr.rel @p0 .LBB2_4-.Ltmp1, $4  }
0xf2: {  	[tilespmem:v12+s10+$0x0] =	vst.idx.add.f32.msk $0xffff, v28  }
0xf3: {  	[tilespmem:v13+s10+$0x0] =	vst.idx.add.f32.msk $0xffff, v29  }
0xf4: {  	[tilespmem:v14+s10+$0x0] =	vst.idx.add.f32.msk $0xffff, v30  }
0xf5: {  	s18 =	sadd.s32 $0x100, s18;
	[tilespmem:v15+s10+$0x0] =	vst.idx.add.f32.msk $0xffff, v31  }
0xf6: {  	v2 =	vld [tilespmem:$0x2700];
	_ =	sdelay $0x4  }
0xf7: {  	v3 =	vld [tilespmem:$0x4E80];
	v2 =	vadd.s32 v1, v2;
	_ =	sdelay $0x4  }
0xf8: {  	s16 =	simm.s32 $0x0;
	[tilespmem:v2+s10+$0x0] =	vst.idx.add.f32.msk $0xffff, v3  }
0xf9: {  	v4 =	vld [tilespmem:s16+$0x4F00];
	_ =	sdelay $0x3  }
0xfa: {  	v2 =	vld [tilespmem:s16+$0x4F70]  }
0xfb: {  	v3 =	vld [tilespmem:s16+$0x5F70];
	[tilespmem:$0x1FFC0] =	vst v4  }
0xfc: {  	v4 =	vld [tilespmem:s16+$0x5F00];
	_ =	sdelay $0x4  }
0xfd: {  	v5 =	vld [tilespmem:s16+$0x6F70];
	[tilespmem:$0x1FFD0] =	vst v4  }
0xfe: {  	v4 =	vld [tilespmem:s16+$0x4F10];
	_ =	sdelay $0x3  }
0xff: {  	v8 =	vld [tilespmem:$0x1FFC0]  }
0x100: {  	v7 =	vld [tilespmem:s16+$0x7F70];
	[tilespmem:$0x1FFE0] =	vst v4  }
0x101: {  	v9 =	vld [tilespmem:s16+$0x8F70]  }
0x102: {  	v10 =	vld [tilespmem:s16+$0x5F10]  }
0x103: {  	v11 =	vld [tilespmem:s16+$0x9F70]  }
0x104: {  	v12 =	vld [tilespmem:s16+$0x4F20]  }
0x105: {  	v13 =	vld [tilespmem:s16+$0xAF70]  }
0x106: {  	v14 =	vld [tilespmem:s16+$0x5F20]  }
0x107: {  	v15 =	vld [tilespmem:s16+$0xBF70]  }
0x108: {  	v16 =	vld [tilespmem:s16+$0x4F30]  }
0x109: {  	v17 =	vld [tilespmem:s16+$0xCF70]  }
0x10a: {  	v18 =	vld [tilespmem:s16+$0x5F30]  }
0x10b: {  	v19 =	vld [tilespmem:s16+$0xDF70]  }
0x10c: {  	v20 =	vld [tilespmem:s16+$0x4F40]  }
0x10d: {  	v21 =	vld [tilespmem:s16+$0xEF70]  }
0x10e: {  	v22 =	vld [tilespmem:s16+$0x5F40]  }
0x10f: {  	v23 =	vld [tilespmem:s16+$0xFF70]  }
0x110: {  	v24 =	vld [tilespmem:s16+$0x4F50]  }
0x111: {  	v25 =	vld [tilespmem:s16+$0x10F70]  }
0x112: {  	v26 =	vld [tilespmem:s16+$0x5F50]  }
0x113: {  	v27 =	vld [tilespmem:s16+$0x11F70]  }
0x114: {  	v28 =	vld [tilespmem:s16+$0x4F60]  }
0x115: {  	v29 =	vld [tilespmem:s16+$0x12F70]  }
0x116: {  	v30 =	vld [tilespmem:s16+$0x5F60]  }
0x117: {  	v31 =	vld [tilespmem:s16+$0x13F70]  }
0x118: {  	v32 =	vld [tilespmem:s16+$0x6F00]  }
0x119: {  	v33 =	vld [tilespmem:s16+$0x6F10]  }
0x11a: {  	v34 =	vld [tilespmem:s16+$0x6F20]  }
0x11b: {  	v35 =	vld [tilespmem:s16+$0x6F30]  }
0x11c: {  	v36 =	vld [tilespmem:s16+$0x6F40]  }
0x11d: {  	v37 =	vld [tilespmem:s16+$0x6F50]  }
0x11e: {  	v38 =	vld [tilespmem:s16+$0x6F60]  }
0x11f: {  	v39 =	vld [tilespmem:s16+$0x7F00]  }
0x120: {  	v40 =	vld [tilespmem:s16+$0x7F10]  }
0x121: {  	v41 =	vld [tilespmem:s16+$0x7F20]  }
0x122: {  	v42 =	vld [tilespmem:s16+$0x7F30]  }
0x123: {  	v43 =	vld [tilespmem:s16+$0x7F40]  }
0x124: {  	v44 =	vld [tilespmem:s16+$0x7F50]  }
0x125: {  	v45 =	vld [tilespmem:s16+$0x7F60]  }
0x126: {  	v46 =	vld [tilespmem:s16+$0x8F00]  }
0x127: {  	v47 =	vld [tilespmem:s16+$0x8F10]  }
0x128: {  	v48 =	vld [tilespmem:s16+$0x8F20]  }
0x129: {  	v49 =	vld [tilespmem:s16+$0x8F30]  }
0x12a: {  	v2 =	vadd.f32 v3, v2;
	v3 =	vld [tilespmem:s16+$0x9F10]  }
0x12b: {  	v50 =	vld [tilespmem:s16+$0x8F40]  }
0x12c: {  	v51 =	vld [tilespmem:s16+$0x8F50]  }
0x12d: {  	v52 =	vld [tilespmem:s16+$0x8F60]  }
0x12e: {  	v53 =	vld [tilespmem:s16+$0x9F00]  }
0x12f: {  	[tilespmem:$0x1FFF0] =	vst v3;
	v3 =	vld [tilespmem:$0x1FFD0]  }
0x130: {  	v54 =	vld [tilespmem:s16+$0x9F20]  }
0x131: {  	v2 =	vadd.f32 v5, v2;
	v5 =	vld [tilespmem:s16+$0x9F30]  }
0x132: {  	v55 =	vld [tilespmem:s16+$0x9F40]  }
0x133: {  	v2 =	vadd.f32 v7, v2;
	v7 =	vld [tilespmem:s16+$0x9F50]  }
0x134: {  	v56 =	vld [tilespmem:s16+$0x9F60]  }
0x135: {  	v2 =	vadd.f32 v9, v2;
	v9 =	vld [tilespmem:s16+$0xAF00]  }
0x136: {  	v57 =	vld [tilespmem:s16+$0xAF10]  }
0x137: {  	v58 =	vld [tilespmem:s16+$0xAF30]  }
0x138: {  	v59 =	vld [tilespmem:s16+$0xAF50]  }
0x139: {  	v60 =	vld [tilespmem:s16+$0xBF00]  }
0x13a: {  	v61 =	vld [tilespmem:s16+$0xBF20]  }
0x13b: {  	v62 =	vld [tilespmem:s16+$0xBF40]  }
0x13c: {  	v63 =	vld [tilespmem:s16+$0xBF60]  }
0x13d: {  	v4 =	vld [tilespmem:s16+$0xCF10]  }
0x13e: {  	v6 =	vld [tilespmem:s16+$0xCF30]  }
0x13f: {  	v12 =	vadd.f32 v14, v12;
	v14 =	vld [tilespmem:s16+$0xCF50]  }
0x140: {  	v16 =	vadd.f32 v18, v16;
	v18 =	vld [tilespmem:s16+$0xCF60]  }
0x141: {  	v20 =	vadd.f32 v22, v20;
	v22 =	vadd.f32 v26, v24;
	v24 =	vld [tilespmem:s16+$0xDF00]  }
0x142: {  	v26 =	vadd.f32 v30, v28;
	v28 =	vld [tilespmem:s16+$0xDF10]  }
0x143: {  	v30 =	vld [tilespmem:s16+$0xDF30]  }
0x144: {  	v2 =	vadd.f32 v11, v2;
	v11 =	vld [tilespmem:s16+$0xAF20]  }
0x145: {  	v12 =	vadd.f32 v34, v12;
	v34 =	vld [tilespmem:s16+$0xEF00]  }
0x146: {  	v16 =	vadd.f32 v35, v16;
	v35 =	vld [tilespmem:s16+$0xEF10]  }
0x147: {  	v20 =	vadd.f32 v36, v20;
	v36 =	vld [tilespmem:s16+$0xEF20]  }
0x148: {  	v22 =	vadd.f32 v37, v22;
	v37 =	vld [tilespmem:s16+$0xEF30]  }
0x149: {  	v26 =	vadd.f32 v38, v26;
	v38 =	vld [tilespmem:s16+$0xEF40]  }
0x14a: {  	v2 =	vadd.f32 v13, v2;
	v13 =	vld [tilespmem:s16+$0xAF40]  }
0x14b: {  	v12 =	vadd.f32 v41, v12;
	v20 =	vadd.f32 v43, v20;
	v43 =	vld [tilespmem:s16+$0xFF00]  }
0x14c: {  	v16 =	vadd.f32 v42, v16;
	v26 =	vadd.f32 v45, v26;
	v45 =	vld [tilespmem:s16+$0xFF10]  }
0x14d: {  	v22 =	vadd.f32 v44, v22;
	v8 =	vadd.f32 v3, v8;
	v3 =	vld [tilespmem:$0x1FFE0]  }
0x14e: {  	v2 =	vadd.f32 v15, v2;
	v15 =	vld [tilespmem:s16+$0xAF60];
	v12 =	vadd.f32 v48, v12  }
0x14f: {  	v16 =	vadd.f32 v49, v16;
	v20 =	vadd.f32 v50, v20;
	v48 =	vld [tilespmem:s16+$0xFF60]  }
0x150: {  	v22 =	vadd.f32 v51, v22;
	v26 =	vadd.f32 v52, v26;
	v49 =	vld [tilespmem:s16+$0x10F00]  }
0x151: {  	v50 =	vld [tilespmem:s16+$0x10F10];
	v8 =	vadd.f32 v32, v8;
	v2 =	vadd.f32 v17, v2  }
0x152: {  	v51 =	vld [tilespmem:s16+$0x10F50];
	v5 =	vadd.f32 v5, v16;
	v42 =	vadd.f32 v55, v20  }
0x153: {  	v52 =	vld [tilespmem:s16+$0x10F60];
	v7 =	vadd.f32 v7, v22;
	v44 =	vadd.f32 v56, v26  }
0x154: {  	v32 =	vld [tilespmem:s16+$0xDF50];
	v8 =	vadd.f32 v39, v8;
	v2 =	vadd.f32 v19, v2  }
0x155: {  	v17 =	vld [tilespmem:s16+$0xBF10];
	v10 =	vadd.f32 v10, v3;
	v5 =	vadd.f32 v58, v5  }
0x156: {  	v55 =	vld [tilespmem:s16+$0x11F20];
	v13 =	vadd.f32 v13, v42;
	v7 =	vadd.f32 v59, v7  }
0x157: {  	v19 =	vld [tilespmem:s16+$0xBF30];
	v8 =	vadd.f32 v46, v8;
	v15 =	vadd.f32 v15, v44  }
0x158: {  	v56 =	vld [tilespmem:s16+$0x11F30];
	v2 =	vadd.f32 v21, v2;
	v10 =	vadd.f32 v33, v10  }
0x159: {  	v21 =	vld [tilespmem:s16+$0xBF50];
	v13 =	vadd.f32 v62, v13;
	v8 =	vadd.f32 v53, v8  }
0x15a: {  	v33 =	vld [tilespmem:s16+$0xDF60];
	v15 =	vadd.f32 v63, v15;
	v2 =	vadd.f32 v23, v2  }
0x15b: {  	v3 =	vld [tilespmem:$0x1FFF0];
	v10 =	vadd.f32 v40, v10;
	v8 =	vadd.f32 v9, v8  }
0x15c: {  	v23 =	vld [tilespmem:s16+$0xCF00];
	v5 =	vadd.f32 v19, v5;
	v15 =	vadd.f32 v18, v15  }
0x15d: {  	v39 =	vld [tilespmem:s16+$0xEF50];
	v2 =	vadd.f32 v25, v2;
	v10 =	vadd.f32 v47, v10  }
0x15e: {  	v58 =	vld [tilespmem:s16+$0x12F10];
	v8 =	vadd.f32 v60, v8;
	v7 =	vadd.f32 v21, v7  }
0x15f: {  	v59 =	vld [tilespmem:s16+$0x12F20];
	v5 =	vadd.f32 v6, v5;
	v15 =	vadd.f32 v33, v15  }
0x160: {  	v46 =	vld [tilespmem:s16+$0xFF40];
	v2 =	vadd.f32 v27, v2;
	v3 =	vadd.f32 v3, v10  }
0x161: {  	v62 =	vld [tilespmem:s16+$0x13F00];
	v10 =	vadd.f32 v54, v12;
	v8 =	vadd.f32 v23, v8  }
0x162: {  	v27 =	vld [tilespmem:s16+$0xCF40];
	v7 =	vadd.f32 v14, v7;
	v5 =	vadd.f32 v30, v5  }
0x163: {  	v25 =	vld [tilespmem:s16+$0xCF20];
	v2 =	vadd.f32 v29, v2;
	v3 =	vadd.f32 v57, v3  }
0x164: {  	v12 =	vld [tilespmem:s16+$0xEF60];
	v10 =	vadd.f32 v11, v10;
	v8 =	vadd.f32 v24, v8  }
0x165: {  	v47 =	vld [tilespmem:s16+$0xFF50];
	v7 =	vadd.f32 v32, v7;
	v5 =	vadd.f32 v37, v5  }
0x166: {  	v11 =	vld [tilespmem:s16+$0xFF30];
	v2 =	vadd.f32 v31, v2;
	v3 =	vadd.f32 v17, v3  }
0x167: {  	v29 =	vld [tilespmem:s16+$0xDF20];
	v10 =	vadd.f32 v61, v10;
	v13 =	vadd.f32 v27, v13  }
0x168: {  	v31 =	vld [tilespmem:s16+$0xDF40];
	v8 =	vadd.f32 v34, v8;
	v7 =	vadd.f32 v39, v7  }
0x169: {  	v6 =	vld [tilespmem:s16+$0x10F30];
	v12 =	vadd.f32 v12, v15;
	v3 =	vadd.f32 v4, v3  }
0x16a: {  	v53 =	vld [tilespmem:s16+$0x11F00];
	v10 =	vadd.f32 v25, v10;
	v8 =	vadd.f32 v43, v8  }
0x16b: {  	v9 =	vld [tilespmem:s16+$0xFF20];
	v5 =	vadd.f32 v11, v5;
	v7 =	vadd.f32 v47, v7  }
0x16c: {  	v60 =	vld [tilespmem:s16+$0x12F60];
	v12 =	vadd.f32 v48, v12;
	v3 =	vadd.f32 v28, v3  }
0x16d: {  	v54 =	vld [tilespmem:s16+$0x11F10];
	v10 =	vadd.f32 v29, v10;
	v13 =	vadd.f32 v31, v13  }
0x16e: {  	v14 =	vld [tilespmem:s16+$0x10F40];
	v8 =	vadd.f32 v49, v8;
	v5 =	vadd.f32 v6, v5  }
0x16f: {  	v4 =	vld [tilespmem:s16+$0x10F20];
	v7 =	vadd.f32 v51, v7;
	v12 =	vadd.f32 v52, v12  }
0x170: {  	v15 =	vld [tilespmem:s16+$0x11F50];
	v3 =	vadd.f32 v35, v3;
	v10 =	vadd.f32 v36, v10  }
0x171: {  	v57 =	vld [tilespmem:s16+$0x11F40];
	v13 =	vadd.f32 v38, v13;
	v8 =	vadd.f32 v53, v8  }
0x172: {  	v3 =	vadd.f32 v45, v3;
	v9 =	vadd.f32 v9, v10;
	v10 =	vld [tilespmem:s16+$0x11F60]  }
0x173: {  	v5 =	vadd.f32 v56, v5;
	v11 =	vadd.f32 v46, v13;
	v13 =	vld [tilespmem:s16+$0x12F00]  }
0x174: {  	v3 =	vadd.f32 v50, v3;
	v4 =	vadd.f32 v4, v9;
	v9 =	vld [tilespmem:s16+$0x12F30]  }
0x175: {  	v15 =	vadd.f32 v15, v7;
	v6 =	vadd.f32 v14, v11;
	v11 =	vld [tilespmem:s16+$0x12F40]  }
0x176: {  	v14 =	vld [tilespmem:s16+$0x12F50];
	v3 =	vadd.f32 v54, v3;
	v4 =	vadd.f32 v55, v4  }
0x177: {  	v61 =	vadd.f32 v57, v6;
	v63 =	vadd.f32 v10, v12;
	v12 =	vld [tilespmem:s16+$0x13F10]  }
0x178: {  	v10 =	vld [tilespmem:s16+$0x13F20];
	v13 =	vadd.f32 v13, v8;
	v7 =	vadd.f32 v58, v3  }
0x179: {  	v6 =	vadd.f32 v59, v4;
	v8 =	vld [tilespmem:s16+$0x13F30];
	v5 =	vadd.f32 v9, v5  }
0x17a: {  	[tilespmem:s16+$0x14F70] =	vst v2;
	v9 =	vld [tilespmem:s16+$0x13F40];
	v2 =	vadd.f32 v60, v63;
	v4 =	vadd.f32 v11, v61  }
0x17b: {  	s17 =	simm.s32 $0x0;
	s18 =	simm.s32 $0x200;
	v3 =	vadd.f32 v14, v15;
	v13 =	vadd.f32 v62, v13;
	v11 =	vld [tilespmem:s16+$0x13F50]  }
.LBB2_6:
0x17c: {  	s19 =	sshra.s32 s18, $0x2;
	v7 =	vadd.f32 v12, v7;
	v12 =	vld [tilespmem:s16+$0x13F60]  }
0x17d: {  	s17 =	sadd.s32 $0x8, s17;
	v14 =	vld [tilespmem:s19+$0x4F70];
	[tilespmem:s16+$0x14F00] =	vst v13;
	v6 =	vadd.f32 v10, v6  }
0x17e: {  	p0 =	slt.u32 s17, $0xF8;
	v10 =	vld [tilespmem:s19+$0x5F70];
	[tilespmem:s16+$0x14F10] =	vst v7;
	v5 =	vadd.f32 v8, v5  }
0x17f: {  	v7 =	vld [tilespmem:s19+$0x4F00];
	[tilespmem:s16+$0x14F20] =	vst v6;
	v4 =	vadd.f32 v9, v4  }
0x180: {  	v6 =	vld [tilespmem:s19+$0x6F70];
	[tilespmem:s16+$0x14F30] =	vst v5;
	v3 =	vadd.f32 v11, v3  }
0x181: {  	v5 =	vld [tilespmem:s19+$0x5F00];
	[tilespmem:s16+$0x14F40] =	vst v4;
	v2 =	vadd.f32 v12, v2  }
0x182: {  	v4 =	vld [tilespmem:s19+$0x7F70];
	[tilespmem:s16+$0x14F50] =	vst v3  }
0x183: {  	v3 =	vld [tilespmem:s19+$0x4F10];
	v8 =	vadd.f32 v10, v14;
	[tilespmem:s16+$0x14F60] =	vst v2;
	s16 =	smov.u32 s19  }
0x184: {  	v2 =	vld [tilespmem:s16+$0x8F70]  }
0x185: {  	v9 =	vld [tilespmem:s16+$0x5F10];
	v6 =	vadd.f32 v6, v8  }
0x186: {  	v5 =	vadd.f32 v5, v7;
	v7 =	vld [tilespmem:s16+$0x9F70]  }
0x187: {  	v8 =	vld [tilespmem:s16+$0x4F20];
	v4 =	vadd.f32 v4, v6  }
0x188: {  	v6 =	vld [tilespmem:s16+$0xAF70]  }
0x189: {  	v10 =	vld [tilespmem:s16+$0x5F20];
	v2 =	vadd.f32 v2, v4  }
0x18a: {  	v3 =	vadd.f32 v9, v3;
	v4 =	vld [tilespmem:s16+$0xBF70]  }
0x18b: {  	v9 =	vld [tilespmem:s16+$0x4F30];
	v2 =	vadd.f32 v7, v2  }
0x18c: {  	v7 =	vld [tilespmem:s16+$0xCF70]  }
0x18d: {  	v11 =	vld [tilespmem:s16+$0x5F30];
	v2 =	vadd.f32 v6, v2  }
0x18e: {  	v6 =	vadd.f32 v10, v8;
	v8 =	vld [tilespmem:s16+$0xDF70]  }
0x18f: {  	v10 =	vld [tilespmem:s16+$0x4F40];
	v2 =	vadd.f32 v4, v2  }
0x190: {  	v4 =	vld [tilespmem:s16+$0xEF70]  }
0x191: {  	v12 =	vld [tilespmem:s16+$0x5F40];
	v2 =	vadd.f32 v7, v2  }
0x192: {  	v7 =	vadd.f32 v11, v9;
	v9 =	vld [tilespmem:s16+$0xFF70]  }
0x193: {  	v11 =	vld [tilespmem:s16+$0x4F50];
	v2 =	vadd.f32 v8, v2  }
0x194: {  	v8 =	vld [tilespmem:s16+$0x10F70]  }
0x195: {  	v13 =	vld [tilespmem:s16+$0x5F50];
	v2 =	vadd.f32 v4, v2  }
0x196: {  	v4 =	vadd.f32 v12, v10;
	v10 =	vld [tilespmem:s16+$0x11F70]  }
0x197: {  	v12 =	vld [tilespmem:s16+$0x4F60];
	v2 =	vadd.f32 v9, v2  }
0x198: {  	v9 =	vld [tilespmem:s16+$0x12F70]  }
0x199: {  	v14 =	vld [tilespmem:s16+$0x5F60];
	v2 =	vadd.f32 v8, v2  }
0x19a: {  	v8 =	vadd.f32 v13, v11;
	v11 =	vld [tilespmem:s16+$0x13F70]  }
0x19b: {  	v13 =	vld [tilespmem:s16+$0x6F00];
	v2 =	vadd.f32 v10, v2  }
0x19c: {  	v10 =	vld [tilespmem:s16+$0x6F10]  }
0x19d: {  	v15 =	vld [tilespmem:s16+$0x6F20];
	v2 =	vadd.f32 v9, v2  }
0x19e: {  	v9 =	vld [tilespmem:s16+$0x6F30];
	v12 =	vadd.f32 v14, v12  }
0x19f: {  	v14 =	vld [tilespmem:s16+$0x6F40];
	v2 =	vadd.f32 v11, v2  }
0x1a0: {  	v5 =	vadd.f32 v13, v5;
	v11 =	vld [tilespmem:s16+$0x6F50]  }
0x1a1: {  	v3 =	vadd.f32 v10, v3;
	v10 =	vld [tilespmem:s16+$0x6F60];
	[tilespmem:s16+$0x14F70] =	vst v2  }
0x1a2: {  	v2 =	vld [tilespmem:s16+$0x7F00];
	v6 =	vadd.f32 v15, v6  }
0x1a3: {  	v13 =	vld [tilespmem:s16+$0x7F10];
	v7 =	vadd.f32 v9, v7  }
0x1a4: {  	v9 =	vld [tilespmem:s16+$0x7F20];
	v4 =	vadd.f32 v14, v4  }
0x1a5: {  	v14 =	vld [tilespmem:s16+$0x7F30];
	v8 =	vadd.f32 v11, v8  }
0x1a6: {  	v11 =	vld [tilespmem:s16+$0x7F40];
	v10 =	vadd.f32 v10, v12  }
0x1a7: {  	v2 =	vadd.f32 v2, v5;
	v5 =	vld [tilespmem:s16+$0x7F50]  }
0x1a8: {  	v3 =	vadd.f32 v13, v3;
	v12 =	vld [tilespmem:s16+$0x7F60]  }
0x1a9: {  	v13 =	vld [tilespmem:s16+$0x8F00];
	v6 =	vadd.f32 v9, v6  }
0x1aa: {  	v9 =	vld [tilespmem:s16+$0x8F10];
	v7 =	vadd.f32 v14, v7  }
0x1ab: {  	v14 =	vld [tilespmem:s16+$0x8F20];
	v4 =	vadd.f32 v11, v4  }
0x1ac: {  	v11 =	vld [tilespmem:s16+$0x8F30];
	v5 =	vadd.f32 v5, v8  }
0x1ad: {  	v8 =	vld [tilespmem:s16+$0x8F40];
	v10 =	vadd.f32 v12, v10  }
0x1ae: {  	v2 =	vadd.f32 v13, v2;
	v12 =	vld [tilespmem:s16+$0x8F50]  }
0x1af: {  	v3 =	vadd.f32 v9, v3;
	v9 =	vld [tilespmem:s16+$0x8F60]  }
0x1b0: {  	v13 =	vld [tilespmem:s16+$0x9F00];
	v6 =	vadd.f32 v14, v6  }
0x1b1: {  	v14 =	vld [tilespmem:s16+$0x9F10];
	v7 =	vadd.f32 v11, v7  }
0x1b2: {  	v11 =	vld [tilespmem:s16+$0x9F20];
	v4 =	vadd.f32 v8, v4  }
0x1b3: {  	v8 =	vld [tilespmem:s16+$0x9F30];
	v5 =	vadd.f32 v12, v5  }
0x1b4: {  	v12 =	vld [tilespmem:s16+$0x9F40];
	v9 =	vadd.f32 v9, v10  }
0x1b5: {  	v2 =	vadd.f32 v13, v2;
	v10 =	vld [tilespmem:s16+$0x9F50]  }
0x1b6: {  	v3 =	vadd.f32 v14, v3;
	v13 =	vld [tilespmem:s16+$0x9F60]  }
0x1b7: {  	v14 =	vld [tilespmem:s16+$0xAF00];
	v6 =	vadd.f32 v11, v6  }
0x1b8: {  	v11 =	vld [tilespmem:s16+$0xAF10];
	v7 =	vadd.f32 v8, v7  }
0x1b9: {  	v8 =	vld [tilespmem:s16+$0xAF20];
	v4 =	vadd.f32 v12, v4  }
0x1ba: {  	v12 =	vld [tilespmem:s16+$0xAF30];
	v5 =	vadd.f32 v10, v5  }
0x1bb: {  	v10 =	vld [tilespmem:s16+$0xAF40];
	v9 =	vadd.f32 v13, v9  }
0x1bc: {  	v2 =	vadd.f32 v14, v2;
	v13 =	vld [tilespmem:s16+$0xAF50]  }
0x1bd: {  	v3 =	vadd.f32 v11, v3;
	v11 =	vld [tilespmem:s16+$0xAF60]  }
0x1be: {  	v14 =	vld [tilespmem:s16+$0xBF00];
	v6 =	vadd.f32 v8, v6  }
0x1bf: {  	v8 =	vld [tilespmem:s16+$0xBF10];
	v7 =	vadd.f32 v12, v7  }
0x1c0: {  	v12 =	vld [tilespmem:s16+$0xBF20];
	v4 =	vadd.f32 v10, v4  }
0x1c1: {  	v10 =	vld [tilespmem:s16+$0xBF30];
	v5 =	vadd.f32 v13, v5  }
0x1c2: {  	v13 =	vld [tilespmem:s16+$0xBF40];
	v9 =	vadd.f32 v11, v9  }
0x1c3: {  	v2 =	vadd.f32 v14, v2;
	v11 =	vld [tilespmem:s16+$0xBF50]  }
0x1c4: {  	v3 =	vadd.f32 v8, v3;
	v8 =	vld [tilespmem:s16+$0xBF60]  }
0x1c5: {  	v14 =	vld [tilespmem:s16+$0xCF00];
	v6 =	vadd.f32 v12, v6  }
0x1c6: {  	v12 =	vld [tilespmem:s16+$0xCF10];
	v7 =	vadd.f32 v10, v7  }
0x1c7: {  	v10 =	vld [tilespmem:s16+$0xCF20];
	v4 =	vadd.f32 v13, v4  }
0x1c8: {  	v13 =	vld [tilespmem:s16+$0xCF30];
	v5 =	vadd.f32 v11, v5  }
0x1c9: {  	v11 =	vld [tilespmem:s16+$0xCF40];
	v8 =	vadd.f32 v8, v9  }
0x1ca: {  	v2 =	vadd.f32 v14, v2;
	v9 =	vld [tilespmem:s16+$0xCF50]  }
0x1cb: {  	v3 =	vadd.f32 v12, v3;
	v12 =	vld [tilespmem:s16+$0xCF60]  }
0x1cc: {  	v14 =	vld [tilespmem:s16+$0xDF00];
	v6 =	vadd.f32 v10, v6  }
0x1cd: {  	v10 =	vld [tilespmem:s16+$0xDF10];
	v7 =	vadd.f32 v13, v7  }
0x1ce: {  	v13 =	vld [tilespmem:s16+$0xDF20];
	v4 =	vadd.f32 v11, v4  }
0x1cf: {  	v11 =	vld [tilespmem:s16+$0xDF30];
	v5 =	vadd.f32 v9, v5  }
0x1d0: {  	v9 =	vld [tilespmem:s16+$0xDF40];
	v8 =	vadd.f32 v12, v8  }
0x1d1: {  	v2 =	vadd.f32 v14, v2;
	v12 =	vld [tilespmem:s16+$0xDF50]  }
0x1d2: {  	v3 =	vadd.f32 v10, v3;
	v10 =	vld [tilespmem:s16+$0xDF60]  }
0x1d3: {  	v14 =	vld [tilespmem:s16+$0xEF00];
	v6 =	vadd.f32 v13, v6  }
0x1d4: {  	v13 =	vld [tilespmem:s16+$0xEF10];
	v7 =	vadd.f32 v11, v7  }
0x1d5: {  	v11 =	vld [tilespmem:s16+$0xEF20];
	v4 =	vadd.f32 v9, v4  }
0x1d6: {  	v9 =	vld [tilespmem:s16+$0xEF30];
	v5 =	vadd.f32 v12, v5  }
0x1d7: {  	v12 =	vld [tilespmem:s16+$0xEF40];
	v8 =	vadd.f32 v10, v8  }
0x1d8: {  	v2 =	vadd.f32 v14, v2;
	v10 =	vld [tilespmem:s16+$0xEF50]  }
0x1d9: {  	v3 =	vadd.f32 v13, v3;
	v13 =	vld [tilespmem:s16+$0xEF60]  }
0x1da: {  	v14 =	vld [tilespmem:s16+$0xFF00];
	v6 =	vadd.f32 v11, v6  }
0x1db: {  	v11 =	vld [tilespmem:s16+$0xFF10];
	v7 =	vadd.f32 v9, v7  }
0x1dc: {  	v9 =	vld [tilespmem:s16+$0xFF20];
	v4 =	vadd.f32 v12, v4  }
0x1dd: {  	v12 =	vld [tilespmem:s16+$0xFF30];
	v5 =	vadd.f32 v10, v5  }
0x1de: {  	v10 =	vld [tilespmem:s16+$0xFF40];
	v8 =	vadd.f32 v13, v8  }
0x1df: {  	v2 =	vadd.f32 v14, v2;
	v13 =	vld [tilespmem:s16+$0xFF50]  }
0x1e0: {  	v3 =	vadd.f32 v11, v3;
	v11 =	vld [tilespmem:s16+$0xFF60]  }
0x1e1: {  	v14 =	vld [tilespmem:s16+$0x10F00];
	v6 =	vadd.f32 v9, v6  }
0x1e2: {  	v9 =	vld [tilespmem:s16+$0x10F10];
	v7 =	vadd.f32 v12, v7  }
0x1e3: {  	v12 =	vld [tilespmem:s16+$0x10F20];
	v4 =	vadd.f32 v10, v4  }
0x1e4: {  	v10 =	vld [tilespmem:s16+$0x10F30];
	v5 =	vadd.f32 v13, v5  }
0x1e5: {  	v13 =	vld [tilespmem:s16+$0x10F40];
	v8 =	vadd.f32 v11, v8  }
0x1e6: {  	v2 =	vadd.f32 v14, v2;
	v11 =	vld [tilespmem:s16+$0x10F50]  }
0x1e7: {  	v3 =	vadd.f32 v9, v3;
	v9 =	vld [tilespmem:s16+$0x10F60]  }
0x1e8: {  	v14 =	vld [tilespmem:s16+$0x11F00];
	v6 =	vadd.f32 v12, v6  }
0x1e9: {  	v12 =	vld [tilespmem:s16+$0x11F10];
	v7 =	vadd.f32 v10, v7  }
0x1ea: {  	v10 =	vld [tilespmem:s16+$0x11F20];
	v4 =	vadd.f32 v13, v4  }
0x1eb: {  	v13 =	vld [tilespmem:s16+$0x11F30];
	v5 =	vadd.f32 v11, v5  }
0x1ec: {  	v11 =	vld [tilespmem:s16+$0x11F40];
	v8 =	vadd.f32 v9, v8  }
0x1ed: {  	v2 =	vadd.f32 v14, v2;
	v9 =	vld [tilespmem:s16+$0x11F50]  }
0x1ee: {  	v3 =	vadd.f32 v12, v3;
	v12 =	vld [tilespmem:s16+$0x11F60]  }
0x1ef: {  	v14 =	vld [tilespmem:s16+$0x12F00];
	v6 =	vadd.f32 v10, v6  }
0x1f0: {  	v10 =	vld [tilespmem:s16+$0x12F10];
	v13 =	vadd.f32 v13, v7  }
0x1f1: {  	v15 =	vld [tilespmem:s16+$0x12F20];
	v4 =	vadd.f32 v11, v4  }
0x1f2: {  	v11 =	vld [tilespmem:s16+$0x12F30];
	v9 =	vadd.f32 v9, v5  }
0x1f3: {  	v16 =	vld [tilespmem:s16+$0x12F40];
	v17 =	vadd.f32 v12, v8  }
0x1f4: {  	v14 =	vadd.f32 v14, v2;
	v2 =	vld [tilespmem:s16+$0x12F50]  }
0x1f5: {  	v7 =	vadd.f32 v10, v3;
	v18 =	vld [tilespmem:s16+$0x12F60]  }
0x1f6: {  	v19 =	vld [tilespmem:s16+$0x13F00];
	v6 =	vadd.f32 v15, v6  }
.Ltmp2:
0x1f7: {  	v12 =	vld [tilespmem:s16+$0x13F10];
	v5 =	vadd.f32 v11, v13;
	(pc) =	sbr.rel @p0 .LBB2_6-.Ltmp2, $4  }
0x1f8: {  	v10 =	vld [tilespmem:s16+$0x13F20];
	v4 =	vadd.f32 v16, v4  }
0x1f9: {  	v8 =	vld [tilespmem:s16+$0x13F30];
	v3 =	vadd.f32 v2, v9  }
0x1fa: {  	v9 =	vld [tilespmem:s16+$0x13F40];
	v2 =	vadd.f32 v18, v17  }
0x1fb: {  	s18 =	sadd.s32 $0x200, s18;
	v13 =	vadd.f32 v19, v14;
	v11 =	vld [tilespmem:s16+$0x13F50]  }
0x1fc: {  	v7 =	vadd.f32 v12, v7;
	v63 =	vld [tilespmem:s16+$0x13F60]  }
0x1fd: {  	[tilespmem:s16+$0x14F00] =	vst v13;
	v6 =	vadd.f32 v10, v6  }
0x1fe: {  	[tilespmem:s16+$0x14F10] =	vst v7;
	v5 =	vadd.f32 v8, v5  }
0x1ff: {  	[tilespmem:s16+$0x14F20] =	vst v6;
	v4 =	vadd.f32 v9, v4  }
0x200: {  	[tilespmem:s16+$0x14F30] =	vst v5;
	v3 =	vadd.f32 v11, v3  }
0x201: {  	s15 =	sadd.s32 $0x1, s15;
	[tilespmem:s16+$0x14F40] =	vst v4;
	v2 =	vadd.f32 v63, v2  }
0x202: {  	p0 =	sne.s32 s15, s6;
	[tilespmem:s16+$0x14F50] =	vst v3  }
.Ltmp3:
0x203: {  	[tilespmem:s16+$0x14F60] =	vst v2;
	(pc) =	sbr.rel @p0 .LBB2_1-.Ltmp3, $4  }
0x204: {  	[hbm4b:s5+s11] =	stream.strided.scatter [tilespmem:s13], [sflag:$0x3], $0x1000, s12, s11, $0x38;
	[tilespmem:$0x15F00] =	vst v63  }
0x205: {  	_ =	swait.ge [sflag:s14], $0x1000  }
0x206: {  	[sflag:s14] =	ssyncset.done $0x0  }
0x207: {  	[sflag:s14] =	ssyncadd.s32 $0xFFFFF000  }
0x208: {  	_ =	sfence.sel $0x180000  }
0x209: {  	[bflag:$0x0] =	sbarrier.arrive $0xFFFF  }
0x20a: {  	p0 =	sne.s32 s0, $0x0;
	_ =	strace $0x90000047  }
0x20b: {  	s0 =	sadd.s32 @!p0 $0x100000, s1;
	[bflag:$0x2] =	sbarrier.arrive $0xFFFF  }
0x20c: {  	[sflag:s0] =	ssyncadd.tile.s32 @!p0 $0x1;
	_ =	shalt  }
.Lfunc_end2:
_tile_overlayer_lowered:
.L_overlay_start_2:
0x20d: {  	(tag) =	ssettag $0x2  }
0x20e: {  	s0 =	rddreg [dreg:$0x0];
	s2 =	stileid.u32  }
0x20f: {  	s1 =	rddreg [dreg:$0x1];
	p0 =	sne.s32 s2, $0x0  }
0x210: {  	s3 =	rddreg [dreg:$0x2];
	[bflag:$0x3] =	sbarrier.arrive $0xFFFF;
	s2 =	simm.s32 @!p0 $0x1C03  }
0x211: {  	[timem:s3], [sflag:s2] =	dma.local @!p0 [hbm:s0], s1  }
0x212: {  	s0 =	simm.s32 @!p0 $0x3  }
0x213: {  	_ =	swait.ge @!p0 [sflag:s0], s1  }
0x214: {  	s1 =	ssub.s32 @!p0 $0x0, s1;
	[sflag:s0] =	ssyncset.done @!p0 $0x0  }
0x215: {  	[sflag:s0] =	ssyncadd.s32 @!p0 s1  }
0x216: {  	[bflag:$0x3] =	sbarrier.arrive $0xFFFF  }
0x217: {  	_ =	shalt  }

</sc_bundles>
